<compile_context>
chip_gen: v7x
topology: tpu7x:2x2x1
jax: 0.10.2.dev20260603
libtpu: 0.0.44.dev20260713+nightly
codegen_flags: <defaults>
</compile_context>

<pallas_src>
import functools

import jax
import jax.numpy as jnp
from jax import lax
from jax.experimental import pallas as pl
from jax.experimental.pallas import tpu as pltpu
from jax.experimental.pallas import tpu_sc as plsc

_N = 2097152
_K = 209715
_NMK = _N - _K
_ROWS = 2048
_COLS = 1024
_CHUNKS = 8
_CROWS = _ROWS // _CHUNKS

_NW = 32
_PER_W = _N // _NW
_SC_CHUNK = 16384
_BINS = 34816
_BIN_ROWS = 272

_REFINE_ITERS = 7
_SLICES = 16
_SROWS = _ROWS // _SLICES


def _tc1_body(p_ref, t_ref, bits_ref, dice_ref, acc_ref):
    i = pl.program_id(0)

    @pl.when(i == 0)
    def _init():
        acc_ref[0] = 0.0
        acc_ref[1] = 0.0
        acc_ref[2] = 0.0

    sp, st, si = [], [], []
    for j in range(4):
        rows = pl.ds(j * (_CROWS // 4), _CROWS // 4)
        p = p_ref[rows, :]
        t = t_ref[rows, :]
        pt = p * t
        sp.append(jnp.sum(p))
        st.append(jnp.sum(t))
        si.append(jnp.sum(pt))
        q = (1.0 - p) - t + 2.0 * pt
        bce = jnp.maximum(jnp.minimum(-jnp.log(q), 100.0), 0.0)
        bits_ref[rows, :] = pltpu.bitcast(bce, jnp.int32)
    acc_ref[0] += sum(sp)
    acc_ref[1] += sum(st)
    acc_ref[2] += sum(si)

    @pl.when(i == _CHUNKS - 1)
    def _fin():
        dice = 1.0 - (2.0 * acc_ref[2] + 1.0) / (acc_ref[0] + acc_ref[1] + 1.0)
        dice_ref[...] = dice.reshape(1, 1)


def _tc1(p, t):
    return pl.pallas_call(
        _tc1_body,
        grid=(_CHUNKS,),
        in_specs=[
            pl.BlockSpec((_CROWS, _COLS), lambda i: (i, 0)),
            pl.BlockSpec((_CROWS, _COLS), lambda i: (i, 0)),
        ],
        out_specs=[
            pl.BlockSpec((_CROWS, _COLS), lambda i: (i, 0)),
            pl.BlockSpec((1, 1), lambda i: (0, 0)),
        ],
        out_shape=[
            jax.ShapeDtypeStruct((_ROWS, _COLS), jnp.int32),
            jax.ShapeDtypeStruct((1, 1), jnp.float32),
        ],
        scratch_shapes=[pltpu.SMEM((4,), jnp.float32)],
    )(p, t)


def _sc_hist_body(bits_hbm, out_hbm, chunk_v, hist_v):
    wid = lax.axis_index("s") * 2 + lax.axis_index("c")
    base = wid * _PER_W

    def zero_step(z, _):
        hist_v[pl.ds(z * 16, 16)] = jnp.zeros((16,), jnp.int32)
        return ()

    lax.fori_loop(0, _BINS // 16, zero_step, ())

    ones = jnp.ones((16,), jnp.int32)
    for c in range(_PER_W // _SC_CHUNK):
        pltpu.sync_copy(
            bits_hbm.at[pl.ds(base + c * _SC_CHUNK, _SC_CHUNK)], chunk_v
        )

        def step(j, _):
            for u in range(4):
                v = chunk_v[pl.ds((j * 4 + u) * 16, 16)]
                bins = lax.shift_right_logical(v, 15)
                plsc.addupdate_scatter(hist_v, [bins], ones)
            return ()

        lax.fori_loop(0, _SC_CHUNK // 64, step, ())

    pltpu.sync_copy(hist_v, out_hbm.at[wid])


def _sc_hist(bits_flat):
    mesh = plsc.VectorSubcoreMesh(core_axis_name="c", subcore_axis_name="s")
    kfn = functools.partial(
        pl.kernel,
        mesh=mesh,
        out_type=jax.ShapeDtypeStruct((_NW, _BINS), jnp.int32),
        scratch_types=[
            pltpu.VMEM((_SC_CHUNK,), jnp.int32),
            pltpu.VMEM((_BINS,), jnp.int32),
        ],
        compiler_params=pltpu.CompilerParams(needs_layout_passes=False),
    )(_sc_hist_body)
    return kfn(bits_flat)


def _tc2_body(bits_ref, hist_ref, dice_ref, out_ref):
    merged = jnp.sum(hist_ref[...], axis=0)
    r_idx = lax.broadcasted_iota(jnp.int32, (_BIN_ROWS, 128), 0)
    c_idx = lax.broadcasted_iota(jnp.int32, (_BIN_ROWS, 128), 1)
    b_idx = r_idx * 128 + c_idx

    def bin_step(_, carry):
        lo, hi = carry
        mid = lo + (hi - lo + 1) // 2
        ge = 1 - lax.shift_right_logical(b_idx - mid, 31)
        c_ge = jnp.sum(merged * ge)
        big = c_ge >= _K
        return jnp.where(big, mid, lo), jnp.where(big, hi, mid - 1)

    bstar, _ = lax.fori_loop(
        0, 16, bin_step, (jnp.int32(0), jnp.int32(_BINS - 1))
    )

    def step(_, carry):
        lo, hi = carry
        mid = lo + (hi - lo + 1) // 2
        parts = []
        for j in range(_SLICES):
            sl = bits_ref[pl.ds(j * _SROWS, _SROWS), :]
            parts.append(jnp.sum(lax.shift_right_logical(sl - mid, 31)))
        c_lt = sum(parts)
        big = c_lt <= _NMK
        lo = jnp.where(big, mid, lo)
        hi = jnp.where(big, hi, mid - 1)
        return lo, hi

    lo0 = bstar << 15
    lo, hi = lax.fori_loop(
        0, _REFINE_ITERS, step, (lo0, lo0 + jnp.int32(32767))
    )

    c_le_parts, s_parts, vk_parts = [], [], []
    for j in range(_SLICES):
        rows = pl.ds(j * _SROWS, _SROWS)
        bits = bits_ref[rows, :]
        b = pltpu.bitcast(bits, jnp.float32)
        le = lax.shift_right_logical(bits - (lo + 1), 31)
        c_le_parts.append(jnp.sum(le))
        s_parts.append(jnp.sum(b * (1 - le).astype(jnp.float32)))
        le_hi = lax.shift_right_logical(bits - (hi + 1), 31)
        vk_parts.append(jnp.max(b * le_hi.astype(jnp.float32)))
    c_gt = _N - sum(c_le_parts)
    s_gt = sum(s_parts)
    vk = jnp.max(jnp.stack(vk_parts))

    topk_mean = (s_gt + (_K - c_gt).astype(jnp.float32) * vk) / _K
    out_ref[...] = dice_ref[...] + topk_mean


def _tc2(bits, hist, dice):
    return pl.pallas_call(
        _tc2_body,
        out_shape=jax.ShapeDtypeStruct((1, 1), jnp.float32),
    )(bits, hist, dice)


def kernel(preds, gt_masks):
    p = preds.reshape(_ROWS, _COLS)
    t = gt_masks.reshape(_ROWS, _COLS)
    bits, dice = _tc1(p, t)
    hist = _sc_hist(bits.reshape(_N))
    out = _tc2(bits, hist.reshape(_NW, _BIN_ROWS, 128), dice)
    return out[0, 0]

# --- scband reference (transcript-rebuilt; emitter-appended) ---
"""Pipeline reference for scband-dice-topk-48034914238678 (READ-ONLY COPY).

The authoritative reference and input builder live on the scoring server;
editing this copy changes nothing except your own understanding.
"""

import jax, jax.numpy as jnp
import numpy as np


def setup_inputs(seed: int = 0) -> dict:
    key = jax.random.key(seed)
    k1, k2 = jax.random.split(key)
    preds = jax.random.uniform(k1, (8, 1, 512, 512), dtype=jnp.float32)
    # keep preds strictly inside (0,1) so BCE logs are finite, matching realistic sigmoid outputs
    preds = jnp.clip(preds, 1e-6, 1.0 - 1e-6)
    gt_masks = jax.random.randint(k2, (8, 1, 512, 512), 0, 2).astype(jnp.float32)
    return {"preds": preds, "gt_masks": gt_masks}


def reference(preds, gt_masks):
    # SoftDiceLoss
    smooth = 1.0
    i_flat = preds.reshape(-1)
    t_flat = gt_masks.reshape(-1)
    intersection = (i_flat * t_flat).sum()
    dice_loss = 1.0 - (2.0 * intersection + smooth) / (i_flat.sum() + t_flat.sum() + smooth)

    # TopKLoss: BCE (reduction='none') then top 10% pixels by loss, mean
    # torch BCELoss clamps log terms at -100
    log_p = jnp.clip(jnp.log(preds), -100.0, None)
    log_1mp = jnp.clip(jnp.log1p(-preds), -100.0, None)
    bce = -(gt_masks * log_p + (1.0 - gt_masks) * log_1mp)
    num_pixels = int(np.prod(bce.shape))
    k = int(num_pixels * 10 / 100)
    topk_vals, _ = jax.lax.top_k(bce.reshape(-1), k)
    topk_loss = topk_vals.mean()

    return dice_loss + topk_loss

if __name__ == "__main__":
    import jax
    _d = setup_inputs()
    print(jax.jit(kernel)(*tuple(_d.values())))

</pallas_src>

<mosaic_0001>
#map = affine_map<(d0, d1) -> (0)>
#map1 = affine_map<(d0, d1) -> (0, 0)>
module attributes {stable_mosaic.version = 14 : i64} {
  func.func @_sc_hist_body(%arg0: i32, %arg1: i32, %arg2: memref<2097152xi32, #tpu.memory_space<hbm>>, %arg3: memref<32x34816xi32, #tpu.memory_space<hbm>>, %arg4: memref<16384xi32, #tpu.memory_space<vmem>>, %arg5: memref<34816xi32, #tpu.memory_space<vmem>>) attributes {dimension_semantics = [#tpu.dimension_semantics<core_parallel>, #tpu.dimension_semantics<subcore_parallel>], iteration_bounds = array<i64: 2, 16>, scalar_prefetch = 0 : i64, scratch_operands = 2 : i64, tpu.core_type = #tpu.core_type<sc_vector_subcore>, window_params = [{transform_indices = #map}, {transform_indices = #map1}]} {
    %mul3A = arith.constant 2 : i32
    %mul3A_0 = arith.muli %arg1, %mul3A : i32
    %add3A = arith.addi %mul3A_0, %arg0 : i32
    %mul3A_1 = arith.constant 65536 : i32
    %mul3A_2 = arith.muli %add3A, %mul3A_1 : i32
    %scan3A = arith.constant 0 : i32
    %scan3A_3 = arith.constant 2176 : i32
    %scan3A_4 = arith.addi %scan3A, %scan3A_3 : i32
    %scan3A_5 = arith.constant 1 : i32
    scf.for %scan3A_36 = %scan3A to %scan3A_4 step %scan3A_5  : i32 {
      %broadcast_in_dim3A_37 = arith.constant 0 : i32
      %broadcast_in_dim3A_38 = vector.broadcast %broadcast_in_dim3A_37 : i32 to vector<16xi32>
      %mul3A_39 = arith.constant 16 : i32
      %mul3A_40 = arith.muli %scan3A_36, %mul3A_39 : i32
      %swap3A = arith.index_cast %mul3A_40 : i32 to index
      %swap3A_41 = tpu.vector_load %arg5[%swap3A] {strides = array<i32>} : memref<34816xi32, #tpu.memory_space<vmem>>, vector<16xi32>,
      tpu.vector_store %arg5[%swap3A], %broadcast_in_dim3A_38 {strides = array<i32>} : memref<34816xi32, #tpu.memory_space<vmem>>, vector<16xi32>,
    }
    %scan3A_6 = arith.constant 2176 : i32
    %broadcast_in_dim3A = arith.constant 1 : i32
    %broadcast_in_dim3A_7 = vector.broadcast %broadcast_in_dim3A : i32 to vector<16xi32>
    %add3A_8 = arith.constant 0 : i32
    %add3A_9 = arith.addi %mul3A_2, %add3A_8 : i32
    "tpu.region"() ({
      %run_scoped3A = tpu.sem_alloc : memref<!tpu.dma_semaphore, #tpu.memory_space<semaphore_mem>>
      %dma_start3A = tpu.memref_slice %arg2[%add3A_9] : memref<2097152xi32, #tpu.memory_space<hbm>> -> memref<16384xi32, #tpu.memory_space<hbm>>
      %dma_start3A_36 = tpu.memref_slice %arg2[%add3A_9] : memref<2097152xi32, #tpu.memory_space<hbm>> -> memref<16384xi32, #tpu.memory_space<hbm>>
      tpu.enqueue_dma source(%dma_start3A_36 : memref<16384xi32, #tpu.memory_space<hbm>>) target(%arg4 : memref<16384xi32, #tpu.memory_space<vmem>>) target_semaphore(%run_scoped3A : memref<!tpu.dma_semaphore, #tpu.memory_space<semaphore_mem>>)
      %dma_wait3A = tpu.memref_slice %arg2[%add3A_9] : memref<2097152xi32, #tpu.memory_space<hbm>> -> memref<16384xi32, #tpu.memory_space<hbm>>
      %dma_wait3A_37 = tpu.memref_slice %arg2[%add3A_9] : memref<2097152xi32, #tpu.memory_space<hbm>> -> memref<16384xi32, #tpu.memory_space<hbm>>
      tpu.wait_dma2 semaphore(%run_scoped3A : memref<!tpu.dma_semaphore, #tpu.memory_space<semaphore_mem>>) src(%dma_wait3A_37 : memref<16384xi32, #tpu.memory_space<hbm>>) dst(%arg4 : memref<16384xi32, #tpu.memory_space<vmem>>)
      tpu.yield
    }) : () -> ()
    %scan3A_10 = arith.constant 0 : i32
    %scan3A_11 = arith.constant 256 : i32
    %scan3A_12 = arith.addi %scan3A_10, %scan3A_11 : i32
    %scan3A_13 = arith.constant 1 : i32
    scf.for %scan3A_36 = %scan3A_10 to %scan3A_12 step %scan3A_13  : i32 {
      %mul3A_37 = arith.constant 4 : i32
      %mul3A_38 = arith.muli %scan3A_36, %mul3A_37 : i32
      %add3A_39 = arith.constant 0 : i32
      %add3A_40 = arith.addi %mul3A_38, %add3A_39 : i32
      %mul3A_41 = arith.constant 16 : i32
      %mul3A_42 = arith.muli %add3A_40, %mul3A_41 : i32
      %get3A = arith.index_cast %mul3A_42 : i32 to index
      %get3A_43 = tpu.vector_load %arg4[%get3A] {strides = array<i32>} : memref<16384xi32, #tpu.memory_space<vmem>>, vector<16xi32>,
      %shift_right_logical3A = arith.constant 15 : i32
      %shift_right_logical3A_44 = vector.broadcast %shift_right_logical3A : i32 to vector<16xi32>
      %shift_right_logical3A_45 = arith.shrui %get3A_43, %shift_right_logical3A_44 : vector<16xi32>
      tpu.vector_store_idx %arg5[%shift_right_logical3A_45], %broadcast_in_dim3A_7 {add = true} : memref<34816xi32, #tpu.memory_space<vmem>>[vector<16xi32>], vector<16xi32>,
      %mul3A_46 = arith.constant 4 : i32
      %mul3A_47 = arith.muli %scan3A_36, %mul3A_46 : i32
      %add3A_48 = arith.constant 1 : i32
      %add3A_49 = arith.addi %mul3A_47, %add3A_48 : i32
      %mul3A_50 = arith.constant 16 : i32
      %mul3A_51 = arith.muli %add3A_49, %mul3A_50 : i32
      %get3A_52 = arith.index_cast %mul3A_51 : i32 to index
      %get3A_53 = tpu.vector_load %arg4[%get3A_52] {strides = array<i32>} : memref<16384xi32, #tpu.memory_space<vmem>>, vector<16xi32>,
      %shift_right_logical3A_54 = arith.constant 15 : i32
      %shift_right_logical3A_55 = vector.broadcast %shift_right_logical3A_54 : i32 to vector<16xi32>
      %shift_right_logical3A_56 = arith.shrui %get3A_53, %shift_right_logical3A_55 : vector<16xi32>
      tpu.vector_store_idx %arg5[%shift_right_logical3A_56], %broadcast_in_dim3A_7 {add = true} : memref<34816xi32, #tpu.memory_space<vmem>>[vector<16xi32>], vector<16xi32>,
      %mul3A_57 = arith.constant 4 : i32
      %mul3A_58 = arith.muli %scan3A_36, %mul3A_57 : i32
      %add3A_59 = arith.constant 2 : i32
      %add3A_60 = arith.addi %mul3A_58, %add3A_59 : i32
      %mul3A_61 = arith.constant 16 : i32
      %mul3A_62 = arith.muli %add3A_60, %mul3A_61 : i32
      %get3A_63 = arith.index_cast %mul3A_62 : i32 to index
      %get3A_64 = tpu.vector_load %arg4[%get3A_63] {strides = array<i32>} : memref<16384xi32, #tpu.memory_space<vmem>>, vector<16xi32>,
      %shift_right_logical3A_65 = arith.constant 15 : i32
      %shift_right_logical3A_66 = vector.broadcast %shift_right_logical3A_65 : i32 to vector<16xi32>
      %shift_right_logical3A_67 = arith.shrui %get3A_64, %shift_right_logical3A_66 : vector<16xi32>
      tpu.vector_store_idx %arg5[%shift_right_logical3A_67], %broadcast_in_dim3A_7 {add = true} : memref<34816xi32, #tpu.memory_space<vmem>>[vector<16xi32>], vector<16xi32>,
      %mul3A_68 = arith.constant 4 : i32
      %mul3A_69 = arith.muli %scan3A_36, %mul3A_68 : i32
      %add3A_70 = arith.constant 3 : i32
      %add3A_71 = arith.addi %mul3A_69, %add3A_70 : i32
      %mul3A_72 = arith.constant 16 : i32
      %mul3A_73 = arith.muli %add3A_71, %mul3A_72 : i32
      %get3A_74 = arith.index_cast %mul3A_73 : i32 to index
      %get3A_75 = tpu.vector_load %arg4[%get3A_74] {strides = array<i32>} : memref<16384xi32, #tpu.memory_space<vmem>>, vector<16xi32>,
      %shift_right_logical3A_76 = arith.constant 15 : i32
      %shift_right_logical3A_77 = vector.broadcast %shift_right_logical3A_76 : i32 to vector<16xi32>
      %shift_right_logical3A_78 = arith.shrui %get3A_75, %shift_right_logical3A_77 : vector<16xi32>
      tpu.vector_store_idx %arg5[%shift_right_logical3A_78], %broadcast_in_dim3A_7 {add = true} : memref<34816xi32, #tpu.memory_space<vmem>>[vector<16xi32>], vector<16xi32>,
    }
    %scan3A_14 = arith.constant 256 : i32
    %add3A_15 = arith.constant 16384 : i32
    %add3A_16 = arith.addi %mul3A_2, %add3A_15 : i32
    "tpu.region"() ({
      %run_scoped3A = tpu.sem_alloc : memref<!tpu.dma_semaphore, #tpu.memory_space<semaphore_mem>>
      %dma_start3A = tpu.memref_slice %arg2[%add3A_16] : memref<2097152xi32, #tpu.memory_space<hbm>> -> memref<16384xi32, #tpu.memory_space<hbm>>
      %dma_start3A_36 = tpu.memref_slice %arg2[%add3A_16] : memref<2097152xi32, #tpu.memory_space<hbm>> -> memref<16384xi32, #tpu.memory_space<hbm>>
      tpu.enqueue_dma source(%dma_start3A_36 : memref<16384xi32, #tpu.memory_space<hbm>>) target(%arg4 : memref<16384xi32, #tpu.memory_space<vmem>>) target_semaphore(%run_scoped3A : memref<!tpu.dma_semaphore, #tpu.memory_space<semaphore_mem>>)
      %dma_wait3A = tpu.memref_slice %arg2[%add3A_16] : memref<2097152xi32, #tpu.memory_space<hbm>> -> memref<16384xi32, #tpu.memory_space<hbm>>
      %dma_wait3A_37 = tpu.memref_slice %arg2[%add3A_16] : memref<2097152xi32, #tpu.memory_space<hbm>> -> memref<16384xi32, #tpu.memory_space<hbm>>
      tpu.wait_dma2 semaphore(%run_scoped3A : memref<!tpu.dma_semaphore, #tpu.memory_space<semaphore_mem>>) src(%dma_wait3A_37 : memref<16384xi32, #tpu.memory_space<hbm>>) dst(%arg4 : memref<16384xi32, #tpu.memory_space<vmem>>)
      tpu.yield
    }) : () -> ()
    %scan3A_17 = arith.constant 0 : i32
    %scan3A_18 = arith.constant 256 : i32
    %scan3A_19 = arith.addi %scan3A_17, %scan3A_18 : i32
    %scan3A_20 = arith.constant 1 : i32
    scf.for %scan3A_36 = %scan3A_17 to %scan3A_19 step %scan3A_20  : i32 {
      %mul3A_37 = arith.constant 4 : i32
      %mul3A_38 = arith.muli %scan3A_36, %mul3A_37 : i32
      %add3A_39 = arith.constant 0 : i32
      %add3A_40 = arith.addi %mul3A_38, %add3A_39 : i32
      %mul3A_41 = arith.constant 16 : i32
      %mul3A_42 = arith.muli %add3A_40, %mul3A_41 : i32
      %get3A = arith.index_cast %mul3A_42 : i32 to index
      %get3A_43 = tpu.vector_load %arg4[%get3A] {strides = array<i32>} : memref<16384xi32, #tpu.memory_space<vmem>>, vector<16xi32>,
      %shift_right_logical3A = arith.constant 15 : i32
      %shift_right_logical3A_44 = vector.broadcast %shift_right_logical3A : i32 to vector<16xi32>
      %shift_right_logical3A_45 = arith.shrui %get3A_43, %shift_right_logical3A_44 : vector<16xi32>
      tpu.vector_store_idx %arg5[%shift_right_logical3A_45], %broadcast_in_dim3A_7 {add = true} : memref<34816xi32, #tpu.memory_space<vmem>>[vector<16xi32>], vector<16xi32>,
      %mul3A_46 = arith.constant 4 : i32
      %mul3A_47 = arith.muli %scan3A_36, %mul3A_46 : i32
      %add3A_48 = arith.constant 1 : i32
      %add3A_49 = arith.addi %mul3A_47, %add3A_48 : i32
      %mul3A_50 = arith.constant 16 : i32
      %mul3A_51 = arith.muli %add3A_49, %mul3A_50 : i32
      %get3A_52 = arith.index_cast %mul3A_51 : i32 to index
      %get3A_53 = tpu.vector_load %arg4[%get3A_52] {strides = array<i32>} : memref<16384xi32, #tpu.memory_space<vmem>>, vector<16xi32>,
      %shift_right_logical3A_54 = arith.constant 15 : i32
      %shift_right_logical3A_55 = vector.broadcast %shift_right_logical3A_54 : i32 to vector<16xi32>
      %shift_right_logical3A_56 = arith.shrui %get3A_53, %shift_right_logical3A_55 : vector<16xi32>
      tpu.vector_store_idx %arg5[%shift_right_logical3A_56], %broadcast_in_dim3A_7 {add = true} : memref<34816xi32, #tpu.memory_space<vmem>>[vector<16xi32>], vector<16xi32>,
      %mul3A_57 = arith.constant 4 : i32
      %mul3A_58 = arith.muli %scan3A_36, %mul3A_57 : i32
      %add3A_59 = arith.constant 2 : i32
      %add3A_60 = arith.addi %mul3A_58, %add3A_59 : i32
      %mul3A_61 = arith.constant 16 : i32
      %mul3A_62 = arith.muli %add3A_60, %mul3A_61 : i32
      %get3A_63 = arith.index_cast %mul3A_62 : i32 to index
      %get3A_64 = tpu.vector_load %arg4[%get3A_63] {strides = array<i32>} : memref<16384xi32, #tpu.memory_space<vmem>>, vector<16xi32>,
      %shift_right_logical3A_65 = arith.constant 15 : i32
      %shift_right_logical3A_66 = vector.broadcast %shift_right_logical3A_65 : i32 to vector<16xi32>
      %shift_right_logical3A_67 = arith.shrui %get3A_64, %shift_right_logical3A_66 : vector<16xi32>
      tpu.vector_store_idx %arg5[%shift_right_logical3A_67], %broadcast_in_dim3A_7 {add = true} : memref<34816xi32, #tpu.memory_space<vmem>>[vector<16xi32>], vector<16xi32>,
      %mul3A_68 = arith.constant 4 : i32
      %mul3A_69 = arith.muli %scan3A_36, %mul3A_68 : i32
      %add3A_70 = arith.constant 3 : i32
      %add3A_71 = arith.addi %mul3A_69, %add3A_70 : i32
      %mul3A_72 = arith.constant 16 : i32
      %mul3A_73 = arith.muli %add3A_71, %mul3A_72 : i32
      %get3A_74 = arith.index_cast %mul3A_73 : i32 to index
      %get3A_75 = tpu.vector_load %arg4[%get3A_74] {strides = array<i32>} : memref<16384xi32, #tpu.memory_space<vmem>>, vector<16xi32>,
      %shift_right_logical3A_76 = arith.constant 15 : i32
      %shift_right_logical3A_77 = vector.broadcast %shift_right_logical3A_76 : i32 to vector<16xi32>
      %shift_right_logical3A_78 = arith.shrui %get3A_75, %shift_right_logical3A_77 : vector<16xi32>
      tpu.vector_store_idx %arg5[%shift_right_logical3A_78], %broadcast_in_dim3A_7 {add = true} : memref<34816xi32, #tpu.memory_space<vmem>>[vector<16xi32>], vector<16xi32>,
    }
    %scan3A_21 = arith.constant 256 : i32
    %add3A_22 = arith.constant 32768 : i32
    %add3A_23 = arith.addi %mul3A_2, %add3A_22 : i32
    "tpu.region"() ({
      %run_scoped3A = tpu.sem_alloc : memref<!tpu.dma_semaphore, #tpu.memory_space<semaphore_mem>>
      %dma_start3A = tpu.memref_slice %arg2[%add3A_23] : memref<2097152xi32, #tpu.memory_space<hbm>> -> memref<16384xi32, #tpu.memory_space<hbm>>
      %dma_start3A_36 = tpu.memref_slice %arg2[%add3A_23] : memref<2097152xi32, #tpu.memory_space<hbm>> -> memref<16384xi32, #tpu.memory_space<hbm>>
      tpu.enqueue_dma source(%dma_start3A_36 : memref<16384xi32, #tpu.memory_space<hbm>>) target(%arg4 : memref<16384xi32, #tpu.memory_space<vmem>>) target_semaphore(%run_scoped3A : memref<!tpu.dma_semaphore, #tpu.memory_space<semaphore_mem>>)
      %dma_wait3A = tpu.memref_slice %arg2[%add3A_23] : memref<2097152xi32, #tpu.memory_space<hbm>> -> memref<16384xi32, #tpu.memory_space<hbm>>
      %dma_wait3A_37 = tpu.memref_slice %arg2[%add3A_23] : memref<2097152xi32, #tpu.memory_space<hbm>> -> memref<16384xi32, #tpu.memory_space<hbm>>
      tpu.wait_dma2 semaphore(%run_scoped3A : memref<!tpu.dma_semaphore, #tpu.memory_space<semaphore_mem>>) src(%dma_wait3A_37 : memref<16384xi32, #tpu.memory_space<hbm>>) dst(%arg4 : memref<16384xi32, #tpu.memory_space<vmem>>)
      tpu.yield
    }) : () -> ()
    %scan3A_24 = arith.constant 0 : i32
    %scan3A_25 = arith.constant 256 : i32
    %scan3A_26 = arith.addi %scan3A_24, %scan3A_25 : i32
    %scan3A_27 = arith.constant 1 : i32
    scf.for %scan3A_36 = %scan3A_24 to %scan3A_26 step %scan3A_27  : i32 {
      %mul3A_37 = arith.constant 4 : i32
      %mul3A_38 = arith.muli %scan3A_36, %mul3A_37 : i32
      %add3A_39 = arith.constant 0 : i32
      %add3A_40 = arith.addi %mul3A_38, %add3A_39 : i32
      %mul3A_41 = arith.constant 16 : i32
      %mul3A_42 = arith.muli %add3A_40, %mul3A_41 : i32
      %get3A = arith.index_cast %mul3A_42 : i32 to index
      %get3A_43 = tpu.vector_load %arg4[%get3A] {strides = array<i32>} : memref<16384xi32, #tpu.memory_space<vmem>>, vector<16xi32>,
      %shift_right_logical3A = arith.constant 15 : i32
      %shift_right_logical3A_44 = vector.broadcast %shift_right_logical3A : i32 to vector<16xi32>
      %shift_right_logical3A_45 = arith.shrui %get3A_43, %shift_right_logical3A_44 : vector<16xi32>
      tpu.vector_store_idx %arg5[%shift_right_logical3A_45], %broadcast_in_dim3A_7 {add = true} : memref<34816xi32, #tpu.memory_space<vmem>>[vector<16xi32>], vector<16xi32>,
      %mul3A_46 = arith.constant 4 : i32
      %mul3A_47 = arith.muli %scan3A_36, %mul3A_46 : i32
      %add3A_48 = arith.constant 1 : i32
      %add3A_49 = arith.addi %mul3A_47, %add3A_48 : i32
      %mul3A_50 = arith.constant 16 : i32
      %mul3A_51 = arith.muli %add3A_49, %mul3A_50 : i32
      %get3A_52 = arith.index_cast %mul3A_51 : i32 to index
      %get3A_53 = tpu.vector_load %arg4[%get3A_52] {strides = array<i32>} : memref<16384xi32, #tpu.memory_space<vmem>>, vector<16xi32>,
      %shift_right_logical3A_54 = arith.constant 15 : i32
      %shift_right_logical3A_55 = vector.broadcast %shift_right_logical3A_54 : i32 to vector<16xi32>
      %shift_right_logical3A_56 = arith.shrui %get3A_53, %shift_right_logical3A_55 : vector<16xi32>
      tpu.vector_store_idx %arg5[%shift_right_logical3A_56], %broadcast_in_dim3A_7 {add = true} : memref<34816xi32, #tpu.memory_space<vmem>>[vector<16xi32>], vector<16xi32>,
      %mul3A_57 = arith.constant 4 : i32
      %mul3A_58 = arith.muli %scan3A_36, %mul3A_57 : i32
      %add3A_59 = arith.constant 2 : i32
      %add3A_60 = arith.addi %mul3A_58, %add3A_59 : i32
      %mul3A_61 = arith.constant 16 : i32
      %mul3A_62 = arith.muli %add3A_60, %mul3A_61 : i32
      %get3A_63 = arith.index_cast %mul3A_62 : i32 to index
      %get3A_64 = tpu.vector_load %arg4[%get3A_63] {strides = array<i32>} : memref<16384xi32, #tpu.memory_space<vmem>>, vector<16xi32>,
      %shift_right_logical3A_65 = arith.constant 15 : i32
      %shift_right_logical3A_66 = vector.broadcast %shift_right_logical3A_65 : i32 to vector<16xi32>
      %shift_right_logical3A_67 = arith.shrui %get3A_64, %shift_right_logical3A_66 : vector<16xi32>
      tpu.vector_store_idx %arg5[%shift_right_logical3A_67], %broadcast_in_dim3A_7 {add = true} : memref<34816xi32, #tpu.memory_space<vmem>>[vector<16xi32>], vector<16xi32>,
      %mul3A_68 = arith.constant 4 : i32
      %mul3A_69 = arith.muli %scan3A_36, %mul3A_68 : i32
      %add3A_70 = arith.constant 3 : i32
      %add3A_71 = arith.addi %mul3A_69, %add3A_70 : i32
      %mul3A_72 = arith.constant 16 : i32
      %mul3A_73 = arith.muli %add3A_71, %mul3A_72 : i32
      %get3A_74 = arith.index_cast %mul3A_73 : i32 to index
      %get3A_75 = tpu.vector_load %arg4[%get3A_74] {strides = array<i32>} : memref<16384xi32, #tpu.memory_space<vmem>>, vector<16xi32>,
      %shift_right_logical3A_76 = arith.constant 15 : i32
      %shift_right_logical3A_77 = vector.broadcast %shift_right_logical3A_76 : i32 to vector<16xi32>
      %shift_right_logical3A_78 = arith.shrui %get3A_75, %shift_right_logical3A_77 : vector<16xi32>
      tpu.vector_store_idx %arg5[%shift_right_logical3A_78], %broadcast_in_dim3A_7 {add = true} : memref<34816xi32, #tpu.memory_space<vmem>>[vector<16xi32>], vector<16xi32>,
    }
    %scan3A_28 = arith.constant 256 : i32
    %add3A_29 = arith.constant 49152 : i32
    %add3A_30 = arith.addi %mul3A_2, %add3A_29 : i32
    "tpu.region"() ({
      %run_scoped3A = tpu.sem_alloc : memref<!tpu.dma_semaphore, #tpu.memory_space<semaphore_mem>>
      %dma_start3A = tpu.memref_slice %arg2[%add3A_30] : memref<2097152xi32, #tpu.memory_space<hbm>> -> memref<16384xi32, #tpu.memory_space<hbm>>
      %dma_start3A_36 = tpu.memref_slice %arg2[%add3A_30] : memref<2097152xi32, #tpu.memory_space<hbm>> -> memref<16384xi32, #tpu.memory_space<hbm>>
      tpu.enqueue_dma source(%dma_start3A_36 : memref<16384xi32, #tpu.memory_space<hbm>>) target(%arg4 : memref<16384xi32, #tpu.memory_space<vmem>>) target_semaphore(%run_scoped3A : memref<!tpu.dma_semaphore, #tpu.memory_space<semaphore_mem>>)
      %dma_wait3A = tpu.memref_slice %arg2[%add3A_30] : memref<2097152xi32, #tpu.memory_space<hbm>> -> memref<16384xi32, #tpu.memory_space<hbm>>
      %dma_wait3A_37 = tpu.memref_slice %arg2[%add3A_30] : memref<2097152xi32, #tpu.memory_space<hbm>> -> memref<16384xi32, #tpu.memory_space<hbm>>
      tpu.wait_dma2 semaphore(%run_scoped3A : memref<!tpu.dma_semaphore, #tpu.memory_space<semaphore_mem>>) src(%dma_wait3A_37 : memref<16384xi32, #tpu.memory_space<hbm>>) dst(%arg4 : memref<16384xi32, #tpu.memory_space<vmem>>)
      tpu.yield
    }) : () -> ()
    %scan3A_31 = arith.constant 0 : i32
    %scan3A_32 = arith.constant 256 : i32
    %scan3A_33 = arith.addi %scan3A_31, %scan3A_32 : i32
    %scan3A_34 = arith.constant 1 : i32
    scf.for %scan3A_36 = %scan3A_31 to %scan3A_33 step %scan3A_34  : i32 {
      %mul3A_37 = arith.constant 4 : i32
      %mul3A_38 = arith.muli %scan3A_36, %mul3A_37 : i32
      %add3A_39 = arith.constant 0 : i32
      %add3A_40 = arith.addi %mul3A_38, %add3A_39 : i32
      %mul3A_41 = arith.constant 16 : i32
      %mul3A_42 = arith.muli %add3A_40, %mul3A_41 : i32
      %get3A = arith.index_cast %mul3A_42 : i32 to index
      %get3A_43 = tpu.vector_load %arg4[%get3A] {strides = array<i32>} : memref<16384xi32, #tpu.memory_space<vmem>>, vector<16xi32>,
      %shift_right_logical3A = arith.constant 15 : i32
      %shift_right_logical3A_44 = vector.broadcast %shift_right_logical3A : i32 to vector<16xi32>
      %shift_right_logical3A_45 = arith.shrui %get3A_43, %shift_right_logical3A_44 : vector<16xi32>
      tpu.vector_store_idx %arg5[%shift_right_logical3A_45], %broadcast_in_dim3A_7 {add = true} : memref<34816xi32, #tpu.memory_space<vmem>>[vector<16xi32>], vector<16xi32>,
      %mul3A_46 = arith.constant 4 : i32
      %mul3A_47 = arith.muli %scan3A_36, %mul3A_46 : i32
      %add3A_48 = arith.constant 1 : i32
      %add3A_49 = arith.addi %mul3A_47, %add3A_48 : i32
      %mul3A_50 = arith.constant 16 : i32
      %mul3A_51 = arith.muli %add3A_49, %mul3A_50 : i32
      %get3A_52 = arith.index_cast %mul3A_51 : i32 to index
      %get3A_53 = tpu.vector_load %arg4[%get3A_52] {strides = array<i32>} : memref<16384xi32, #tpu.memory_space<vmem>>, vector<16xi32>,
      %shift_right_logical3A_54 = arith.constant 15 : i32
      %shift_right_logical3A_55 = vector.broadcast %shift_right_logical3A_54 : i32 to vector<16xi32>
      %shift_right_logical3A_56 = arith.shrui %get3A_53, %shift_right_logical3A_55 : vector<16xi32>
      tpu.vector_store_idx %arg5[%shift_right_logical3A_56], %broadcast_in_dim3A_7 {add = true} : memref<34816xi32, #tpu.memory_space<vmem>>[vector<16xi32>], vector<16xi32>,
      %mul3A_57 = arith.constant 4 : i32
      %mul3A_58 = arith.muli %scan3A_36, %mul3A_57 : i32
      %add3A_59 = arith.constant 2 : i32
      %add3A_60 = arith.addi %mul3A_58, %add3A_59 : i32
      %mul3A_61 = arith.constant 16 : i32
      %mul3A_62 = arith.muli %add3A_60, %mul3A_61 : i32
      %get3A_63 = arith.index_cast %mul3A_62 : i32 to index
      %get3A_64 = tpu.vector_load %arg4[%get3A_63] {strides = array<i32>} : memref<16384xi32, #tpu.memory_space<vmem>>, vector<16xi32>,
      %shift_right_logical3A_65 = arith.constant 15 : i32
      %shift_right_logical3A_66 = vector.broadcast %shift_right_logical3A_65 : i32 to vector<16xi32>
      %shift_right_logical3A_67 = arith.shrui %get3A_64, %shift_right_logical3A_66 : vector<16xi32>
      tpu.vector_store_idx %arg5[%shift_right_logical3A_67], %broadcast_in_dim3A_7 {add = true} : memref<34816xi32, #tpu.memory_space<vmem>>[vector<16xi32>], vector<16xi32>,
      %mul3A_68 = arith.constant 4 : i32
      %mul3A_69 = arith.muli %scan3A_36, %mul3A_68 : i32
      %add3A_70 = arith.constant 3 : i32
      %add3A_71 = arith.addi %mul3A_69, %add3A_70 : i32
      %mul3A_72 = arith.constant 16 : i32
      %mul3A_73 = arith.muli %add3A_71, %mul3A_72 : i32
      %get3A_74 = arith.index_cast %mul3A_73 : i32 to index
      %get3A_75 = tpu.vector_load %arg4[%get3A_74] {strides = array<i32>} : memref<16384xi32, #tpu.memory_space<vmem>>, vector<16xi32>,
      %shift_right_logical3A_76 = arith.constant 15 : i32
      %shift_right_logical3A_77 = vector.broadcast %shift_right_logical3A_76 : i32 to vector<16xi32>
      %shift_right_logical3A_78 = arith.shrui %get3A_75, %shift_right_logical3A_77 : vector<16xi32>
      tpu.vector_store_idx %arg5[%shift_right_logical3A_78], %broadcast_in_dim3A_7 {add = true} : memref<34816xi32, #tpu.memory_space<vmem>>[vector<16xi32>], vector<16xi32>,
    }
    %scan3A_35 = arith.constant 256 : i32
    "tpu.region"() ({
      %run_scoped3A = tpu.sem_alloc : memref<!tpu.dma_semaphore, #tpu.memory_space<semaphore_mem>>
      %dma_start3A = arith.constant 0 : i32
      %dma_start3A_36 = tpu.memref_slice %arg3[%add3A, %dma_start3A] : memref<32x34816xi32, #tpu.memory_space<hbm>> -> memref<1x34816xi32, #tpu.memory_space<hbm>>
      %dma_start3A_37 = tpu.memref_squeeze %dma_start3A_36 : memref<1x34816xi32, #tpu.memory_space<hbm>> -> memref<34816xi32, #tpu.memory_space<hbm>>
      %dma_start3A_38 = arith.constant 0 : i32
      %dma_start3A_39 = tpu.memref_slice %arg3[%add3A, %dma_start3A_38] : memref<32x34816xi32, #tpu.memory_space<hbm>> -> memref<1x34816xi32, #tpu.memory_space<hbm>>
      %dma_start3A_40 = tpu.memref_squeeze %dma_start3A_39 : memref<1x34816xi32, #tpu.memory_space<hbm>> -> memref<34816xi32, #tpu.memory_space<hbm>>
      tpu.enqueue_dma source(%arg5 : memref<34816xi32, #tpu.memory_space<vmem>>) target(%dma_start3A_40 : memref<34816xi32, #tpu.memory_space<hbm>>) target_semaphore(%run_scoped3A : memref<!tpu.dma_semaphore, #tpu.memory_space<semaphore_mem>>)
      %dma_wait3A = arith.constant 0 : i32
      %dma_wait3A_41 = tpu.memref_slice %arg3[%add3A, %dma_wait3A] : memref<32x34816xi32, #tpu.memory_space<hbm>> -> memref<1x34816xi32, #tpu.memory_space<hbm>>
      %dma_wait3A_42 = tpu.memref_squeeze %dma_wait3A_41 : memref<1x34816xi32, #tpu.memory_space<hbm>> -> memref<34816xi32, #tpu.memory_space<hbm>>
      %dma_wait3A_43 = arith.constant 0 : i32
      %dma_wait3A_44 = tpu.memref_slice %arg3[%add3A, %dma_wait3A_43] : memref<32x34816xi32, #tpu.memory_space<hbm>> -> memref<1x34816xi32, #tpu.memory_space<hbm>>
      %dma_wait3A_45 = tpu.memref_squeeze %dma_wait3A_44 : memref<1x34816xi32, #tpu.memory_space<hbm>> -> memref<34816xi32, #tpu.memory_space<hbm>>
      tpu.wait_dma2 semaphore(%run_scoped3A : memref<!tpu.dma_semaphore, #tpu.memory_space<semaphore_mem>>) src(%arg5 : memref<34816xi32, #tpu.memory_space<vmem>>) dst(%dma_wait3A_45 : memref<34816xi32, #tpu.memory_space<hbm>>)
      tpu.yield
    }) : () -> ()
    return
  }
}

module attributes {stable_mosaic.version = 14 : i64} {
  func.func @_tc1_body(%arg0: i32, %arg1: memref<256x1024xf32, #tpu.memory_space<vmem>>, %arg2: memref<256x1024xf32, #tpu.memory_space<vmem>>, %arg3: memref<256x1024xi32, #tpu.memory_space<vmem>>, %arg4: memref<1x1xf32, #tpu.memory_space<vmem>>, %arg5: memref<4xf32, #tpu.memory_space<smem>>) attributes {dimension_semantics = [#tpu.dimension_semantics<arbitrary>], iteration_bounds = array<i64: 8>, scalar_prefetch = 0 : i64, scratch_operands = 1 : i64, tpu.core_type = #tpu.core_type<tc>, window_params = [{transform_indices = @transform_0, window_bounds = array<i64: 256, 1024>}, {transform_indices = @transform_1, window_bounds = array<i64: 256, 1024>}, {transform_indices = @transform_2, window_bounds = array<i64: 256, 1024>}, {pipeline_mode = #tpu.pipeline_mode<synchronous>, transform_indices = @transform_3, window_bounds = array<i64: 1, 1>}]} {
    %eq3A = arith.constant 0 : i32
    %eq3A_0 = arith.cmpi eq, %arg0, %eq3A : i32
    %convert_element_type3A = arith.extui %eq3A_0 : i1 to i32
    %cond3A = arith.constant 0 : i32
    %cond3A_1 = arith.cmpi ne, %convert_element_type3A, %cond3A : i32
    scf.if %cond3A_1 {
      %swap3A_202 = arith.constant 0.000000e+00 : f32
      %swap3A_203 = arith.constant 0 : index
      %swap3A_204 = memref.load %arg5[%swap3A_203] : memref<4xf32, #tpu.memory_space<smem>>
      memref.store %swap3A_202, %arg5[%swap3A_203] : memref<4xf32, #tpu.memory_space<smem>>
      %swap3A_205 = arith.constant 0.000000e+00 : f32
      %swap3A_206 = arith.constant 1 : index
      %swap3A_207 = memref.load %arg5[%swap3A_206] : memref<4xf32, #tpu.memory_space<smem>>
      memref.store %swap3A_205, %arg5[%swap3A_206] : memref<4xf32, #tpu.memory_space<smem>>
      %swap3A_208 = arith.constant 0.000000e+00 : f32
      %swap3A_209 = arith.constant 2 : index
      %swap3A_210 = memref.load %arg5[%swap3A_209] : memref<4xf32, #tpu.memory_space<smem>>
      memref.store %swap3A_208, %arg5[%swap3A_209] : memref<4xf32, #tpu.memory_space<smem>>
    } else {
    }
    %get3A = arith.constant 0 : index
    %get3A_2 = arith.constant 0 : index
    %get3A_3 = vector.load %arg1[%get3A, %get3A_2] : memref<256x1024xf32, #tpu.memory_space<vmem>>, vector<64x1024xf32>
    %get3A_4 = arith.constant 0 : index
    %get3A_5 = arith.constant 0 : index
    %get3A_6 = vector.load %arg2[%get3A_4, %get3A_5] : memref<256x1024xf32, #tpu.memory_space<vmem>>, vector<64x1024xf32>
    %mul3A = arith.mulf %get3A_3, %get3A_6 : vector<64x1024xf32>
    %reduce_sum3A = vector.shape_cast %get3A_3 : vector<64x1024xf32> to vector<1x64x1024xf32>
    %reduce_sum3A_7 = arith.constant dense<0.000000e+00> : vector<1xf32>
    %reduce_sum3A_8 = vector.multi_reduction <add>, %reduce_sum3A, %reduce_sum3A_7 [1, 2] : vector<1x64x1024xf32> to vector<1xf32>
    %reduce_sum3A_9 = vector.shape_cast %reduce_sum3A_8 : vector<1xf32> to vector<1x1x1xf32>
    %reduce_sum3A_10 = vector.extract %reduce_sum3A_9[0, 0, 0] : f32 from vector<1x1x1xf32>
    %reduce_sum3A_11 = vector.shape_cast %get3A_6 : vector<64x1024xf32> to vector<1x64x1024xf32>
    %reduce_sum3A_12 = arith.constant dense<0.000000e+00> : vector<1xf32>
    %reduce_sum3A_13 = vector.multi_reduction <add>, %reduce_sum3A_11, %reduce_sum3A_12 [1, 2] : vector<1x64x1024xf32> to vector<1xf32>
    %reduce_sum3A_14 = vector.shape_cast %reduce_sum3A_13 : vector<1xf32> to vector<1x1x1xf32>
    %reduce_sum3A_15 = vector.extract %reduce_sum3A_14[0, 0, 0] : f32 from vector<1x1x1xf32>
    %reduce_sum3A_16 = vector.shape_cast %mul3A : vector<64x1024xf32> to vector<1x64x1024xf32>
    %reduce_sum3A_17 = arith.constant dense<0.000000e+00> : vector<1xf32>
    %reduce_sum3A_18 = vector.multi_reduction <add>, %reduce_sum3A_16, %reduce_sum3A_17 [1, 2] : vector<1x64x1024xf32> to vector<1xf32>
    %reduce_sum3A_19 = vector.shape_cast %reduce_sum3A_18 : vector<1xf32> to vector<1x1x1xf32>
    %reduce_sum3A_20 = vector.extract %reduce_sum3A_19[0, 0, 0] : f32 from vector<1x1x1xf32>
    %sub3A = arith.constant 1.000000e+00 : f32
    %sub3A_21 = vector.broadcast %sub3A : f32 to vector<64x1024xf32>
    %sub3A_22 = arith.subf %sub3A_21, %get3A_3 : vector<64x1024xf32>
    %sub3A_23 = arith.subf %sub3A_22, %get3A_6 : vector<64x1024xf32>
    %mul3A_24 = arith.constant 2.000000e+00 : f32
    %mul3A_25 = vector.broadcast %mul3A_24 : f32 to vector<64x1024xf32>
    %mul3A_26 = arith.mulf %mul3A_25, %mul3A : vector<64x1024xf32>
    %add3A = arith.addf %sub3A_23, %mul3A_26 : vector<64x1024xf32>
    %log3A = math.log %add3A : vector<64x1024xf32>
    %neg3A = arith.constant 0.000000e+00 : f32
    %neg3A_27 = vector.broadcast %neg3A : f32 to vector<64x1024xf32>
    %neg3A_28 = arith.subf %neg3A_27, %log3A : vector<64x1024xf32>
    %min3A = arith.constant 1.000000e+02 : f32
    %min3A_29 = vector.broadcast %min3A : f32 to vector<64x1024xf32>
    %min3A_30 = arith.minimumf %neg3A_28, %min3A_29 : vector<64x1024xf32>
    %max3A = arith.constant 0.000000e+00 : f32
    %max3A_31 = vector.broadcast %max3A : f32 to vector<64x1024xf32>
    %max3A_32 = arith.maximumf %min3A_30, %max3A_31 : vector<64x1024xf32>
    %bitcast3A = tpu.bitcast %max3A_32 : vector<64x1024xf32> -> vector<64x1024xi32>
    %swap3A = arith.constant 0 : index
    %swap3A_33 = arith.constant 0 : index
    %swap3A_34 = vector.load %arg3[%swap3A, %swap3A_33] : memref<256x1024xi32, #tpu.memory_space<vmem>>, vector<64x1024xi32>
    tpu.vector_store %arg3[%swap3A, %swap3A_33], %bitcast3A {strides = array<i32>} : memref<256x1024xi32, #tpu.memory_space<vmem>>, vector<64x1024xi32>,
    %get3A_35 = arith.constant 64 : index
    %get3A_36 = arith.constant 0 : index
    %get3A_37 = vector.load %arg1[%get3A_35, %get3A_36] : memref<256x1024xf32, #tpu.memory_space<vmem>>, vector<64x1024xf32>
    %get3A_38 = arith.constant 64 : index
    %get3A_39 = arith.constant 0 : index
    %get3A_40 = vector.load %arg2[%get3A_38, %get3A_39] : memref<256x1024xf32, #tpu.memory_space<vmem>>, vector<64x1024xf32>
    %mul3A_41 = arith.mulf %get3A_37, %get3A_40 : vector<64x1024xf32>
    %reduce_sum3A_42 = vector.shape_cast %get3A_37 : vector<64x1024xf32> to vector<1x64x1024xf32>
    %reduce_sum3A_43 = arith.constant dense<0.000000e+00> : vector<1xf32>
    %reduce_sum3A_44 = vector.multi_reduction <add>, %reduce_sum3A_42, %reduce_sum3A_43 [1, 2] : vector<1x64x1024xf32> to vector<1xf32>
    %reduce_sum3A_45 = vector.shape_cast %reduce_sum3A_44 : vector<1xf32> to vector<1x1x1xf32>
    %reduce_sum3A_46 = vector.extract %reduce_sum3A_45[0, 0, 0] : f32 from vector<1x1x1xf32>
    %reduce_sum3A_47 = vector.shape_cast %get3A_40 : vector<64x1024xf32> to vector<1x64x1024xf32>
    %reduce_sum3A_48 = arith.constant dense<0.000000e+00> : vector<1xf32>
    %reduce_sum3A_49 = vector.multi_reduction <add>, %reduce_sum3A_47, %reduce_sum3A_48 [1, 2] : vector<1x64x1024xf32> to vector<1xf32>
    %reduce_sum3A_50 = vector.shape_cast %reduce_sum3A_49 : vector<1xf32> to vector<1x1x1xf32>
    %reduce_sum3A_51 = vector.extract %reduce_sum3A_50[0, 0, 0] : f32 from vector<1x1x1xf32>
    %reduce_sum3A_52 = vector.shape_cast %mul3A_41 : vector<64x1024xf32> to vector<1x64x1024xf32>
    %reduce_sum3A_53 = arith.constant dense<0.000000e+00> : vector<1xf32>
    %reduce_sum3A_54 = vector.multi_reduction <add>, %reduce_sum3A_52, %reduce_sum3A_53 [1, 2] : vector<1x64x1024xf32> to vector<1xf32>
    %reduce_sum3A_55 = vector.shape_cast %reduce_sum3A_54 : vector<1xf32> to vector<1x1x1xf32>
    %reduce_sum3A_56 = vector.extract %reduce_sum3A_55[0, 0, 0] : f32 from vector<1x1x1xf32>
    %sub3A_57 = arith.constant 1.000000e+00 : f32
    %sub3A_58 = vector.broadcast %sub3A_57 : f32 to vector<64x1024xf32>
    %sub3A_59 = arith.subf %sub3A_58, %get3A_37 : vector<64x1024xf32>
    %sub3A_60 = arith.subf %sub3A_59, %get3A_40 : vector<64x1024xf32>
    %mul3A_61 = arith.constant 2.000000e+00 : f32
    %mul3A_62 = vector.broadcast %mul3A_61 : f32 to vector<64x1024xf32>
    %mul3A_63 = arith.mulf %mul3A_62, %mul3A_41 : vector<64x1024xf32>
    %add3A_64 = arith.addf %sub3A_60, %mul3A_63 : vector<64x1024xf32>
    %log3A_65 = math.log %add3A_64 : vector<64x1024xf32>
    %neg3A_66 = arith.constant 0.000000e+00 : f32
    %neg3A_67 = vector.broadcast %neg3A_66 : f32 to vector<64x1024xf32>
    %neg3A_68 = arith.subf %neg3A_67, %log3A_65 : vector<64x1024xf32>
    %min3A_69 = arith.constant 1.000000e+02 : f32
    %min3A_70 = vector.broadcast %min3A_69 : f32 to vector<64x1024xf32>
    %min3A_71 = arith.minimumf %neg3A_68, %min3A_70 : vector<64x1024xf32>
    %max3A_72 = arith.constant 0.000000e+00 : f32
    %max3A_73 = vector.broadcast %max3A_72 : f32 to vector<64x1024xf32>
    %max3A_74 = arith.maximumf %min3A_71, %max3A_73 : vector<64x1024xf32>
    %bitcast3A_75 = tpu.bitcast %max3A_74 : vector<64x1024xf32> -> vector<64x1024xi32>
    %swap3A_76 = arith.constant 64 : index
    %swap3A_77 = arith.constant 0 : index
    %swap3A_78 = vector.load %arg3[%swap3A_76, %swap3A_77] : memref<256x1024xi32, #tpu.memory_space<vmem>>, vector<64x1024xi32>
    tpu.vector_store %arg3[%swap3A_76, %swap3A_77], %bitcast3A_75 {strides = array<i32>} : memref<256x1024xi32, #tpu.memory_space<vmem>>, vector<64x1024xi32>,
    %get3A_79 = arith.constant 128 : index
    %get3A_80 = arith.constant 0 : index
    %get3A_81 = vector.load %arg1[%get3A_79, %get3A_80] : memref<256x1024xf32, #tpu.memory_space<vmem>>, vector<64x1024xf32>
    %get3A_82 = arith.constant 128 : index
    %get3A_83 = arith.constant 0 : index
    %get3A_84 = vector.load %arg2[%get3A_82, %get3A_83] : memref<256x1024xf32, #tpu.memory_space<vmem>>, vector<64x1024xf32>
    %mul3A_85 = arith.mulf %get3A_81, %get3A_84 : vector<64x1024xf32>
    %reduce_sum3A_86 = vector.shape_cast %get3A_81 : vector<64x1024xf32> to vector<1x64x1024xf32>
    %reduce_sum3A_87 = arith.constant dense<0.000000e+00> : vector<1xf32>
    %reduce_sum3A_88 = vector.multi_reduction <add>, %reduce_sum3A_86, %reduce_sum3A_87 [1, 2] : vector<1x64x1024xf32> to vector<1xf32>
    %reduce_sum3A_89 = vector.shape_cast %reduce_sum3A_88 : vector<1xf32> to vector<1x1x1xf32>
    %reduce_sum3A_90 = vector.extract %reduce_sum3A_89[0, 0, 0] : f32 from vector<1x1x1xf32>
    %reduce_sum3A_91 = vector.shape_cast %get3A_84 : vector<64x1024xf32> to vector<1x64x1024xf32>
    %reduce_sum3A_92 = arith.constant dense<0.000000e+00> : vector<1xf32>
    %reduce_sum3A_93 = vector.multi_reduction <add>, %reduce_sum3A_91, %reduce_sum3A_92 [1, 2] : vector<1x64x1024xf32> to vector<1xf32>
    %reduce_sum3A_94 = vector.shape_cast %reduce_sum3A_93 : vector<1xf32> to vector<1x1x1xf32>
    %reduce_sum3A_95 = vector.extract %reduce_sum3A_94[0, 0, 0] : f32 from vector<1x1x1xf32>
    %reduce_sum3A_96 = vector.shape_cast %mul3A_85 : vector<64x1024xf32> to vector<1x64x1024xf32>
    %reduce_sum3A_97 = arith.constant dense<0.000000e+00> : vector<1xf32>
    %reduce_sum3A_98 = vector.multi_reduction <add>, %reduce_sum3A_96, %reduce_sum3A_97 [1, 2] : vector<1x64x1024xf32> to vector<1xf32>
    %reduce_sum3A_99 = vector.shape_cast %reduce_sum3A_98 : vector<1xf32> to vector<1x1x1xf32>
    %reduce_sum3A_100 = vector.extract %reduce_sum3A_99[0, 0, 0] : f32 from vector<1x1x1xf32>
    %sub3A_101 = arith.constant 1.000000e+00 : f32
    %sub3A_102 = vector.broadcast %sub3A_101 : f32 to vector<64x1024xf32>
    %sub3A_103 = arith.subf %sub3A_102, %get3A_81 : vector<64x1024xf32>
    %sub3A_104 = arith.subf %sub3A_103, %get3A_84 : vector<64x1024xf32>
    %mul3A_105 = arith.constant 2.000000e+00 : f32
    %mul3A_106 = vector.broadcast %mul3A_105 : f32 to vector<64x1024xf32>
    %mul3A_107 = arith.mulf %mul3A_106, %mul3A_85 : vector<64x1024xf32>
    %add3A_108 = arith.addf %sub3A_104, %mul3A_107 : vector<64x1024xf32>
    %log3A_109 = math.log %add3A_108 : vector<64x1024xf32>
    %neg3A_110 = arith.constant 0.000000e+00 : f32
    %neg3A_111 = vector.broadcast %neg3A_110 : f32 to vector<64x1024xf32>
    %neg3A_112 = arith.subf %neg3A_111, %log3A_109 : vector<64x1024xf32>
    %min3A_113 = arith.constant 1.000000e+02 : f32
    %min3A_114 = vector.broadcast %min3A_113 : f32 to vector<64x1024xf32>
    %min3A_115 = arith.minimumf %neg3A_112, %min3A_114 : vector<64x1024xf32>
    %max3A_116 = arith.constant 0.000000e+00 : f32
    %max3A_117 = vector.broadcast %max3A_116 : f32 to vector<64x1024xf32>
    %max3A_118 = arith.maximumf %min3A_115, %max3A_117 : vector<64x1024xf32>
    %bitcast3A_119 = tpu.bitcast %max3A_118 : vector<64x1024xf32> -> vector<64x1024xi32>
    %swap3A_120 = arith.constant 128 : index
    %swap3A_121 = arith.constant 0 : index
    %swap3A_122 = vector.load %arg3[%swap3A_120, %swap3A_121] : memref<256x1024xi32, #tpu.memory_space<vmem>>, vector<64x1024xi32>
    tpu.vector_store %arg3[%swap3A_120, %swap3A_121], %bitcast3A_119 {strides = array<i32>} : memref<256x1024xi32, #tpu.memory_space<vmem>>, vector<64x1024xi32>,
    %get3A_123 = arith.constant 192 : index
    %get3A_124 = arith.constant 0 : index
    %get3A_125 = vector.load %arg1[%get3A_123, %get3A_124] : memref<256x1024xf32, #tpu.memory_space<vmem>>, vector<64x1024xf32>
    %get3A_126 = arith.constant 192 : index
    %get3A_127 = arith.constant 0 : index
    %get3A_128 = vector.load %arg2[%get3A_126, %get3A_127] : memref<256x1024xf32, #tpu.memory_space<vmem>>, vector<64x1024xf32>
    %mul3A_129 = arith.mulf %get3A_125, %get3A_128 : vector<64x1024xf32>
    %reduce_sum3A_130 = vector.shape_cast %get3A_125 : vector<64x1024xf32> to vector<1x64x1024xf32>
    %reduce_sum3A_131 = arith.constant dense<0.000000e+00> : vector<1xf32>
    %reduce_sum3A_132 = vector.multi_reduction <add>, %reduce_sum3A_130, %reduce_sum3A_131 [1, 2] : vector<1x64x1024xf32> to vector<1xf32>
    %reduce_sum3A_133 = vector.shape_cast %reduce_sum3A_132 : vector<1xf32> to vector<1x1x1xf32>
    %reduce_sum3A_134 = vector.extract %reduce_sum3A_133[0, 0, 0] : f32 from vector<1x1x1xf32>
    %reduce_sum3A_135 = vector.shape_cast %get3A_128 : vector<64x1024xf32> to vector<1x64x1024xf32>
    %reduce_sum3A_136 = arith.constant dense<0.000000e+00> : vector<1xf32>
    %reduce_sum3A_137 = vector.multi_reduction <add>, %reduce_sum3A_135, %reduce_sum3A_136 [1, 2] : vector<1x64x1024xf32> to vector<1xf32>
    %reduce_sum3A_138 = vector.shape_cast %reduce_sum3A_137 : vector<1xf32> to vector<1x1x1xf32>
    %reduce_sum3A_139 = vector.extract %reduce_sum3A_138[0, 0, 0] : f32 from vector<1x1x1xf32>
    %reduce_sum3A_140 = vector.shape_cast %mul3A_129 : vector<64x1024xf32> to vector<1x64x1024xf32>
    %reduce_sum3A_141 = arith.constant dense<0.000000e+00> : vector<1xf32>
    %reduce_sum3A_142 = vector.multi_reduction <add>, %reduce_sum3A_140, %reduce_sum3A_141 [1, 2] : vector<1x64x1024xf32> to vector<1xf32>
    %reduce_sum3A_143 = vector.shape_cast %reduce_sum3A_142 : vector<1xf32> to vector<1x1x1xf32>
    %reduce_sum3A_144 = vector.extract %reduce_sum3A_143[0, 0, 0] : f32 from vector<1x1x1xf32>
    %sub3A_145 = arith.constant 1.000000e+00 : f32
    %sub3A_146 = vector.broadcast %sub3A_145 : f32 to vector<64x1024xf32>
    %sub3A_147 = arith.subf %sub3A_146, %get3A_125 : vector<64x1024xf32>
    %sub3A_148 = arith.subf %sub3A_147, %get3A_128 : vector<64x1024xf32>
    %mul3A_149 = arith.constant 2.000000e+00 : f32
    %mul3A_150 = vector.broadcast %mul3A_149 : f32 to vector<64x1024xf32>
    %mul3A_151 = arith.mulf %mul3A_150, %mul3A_129 : vector<64x1024xf32>
    %add3A_152 = arith.addf %sub3A_148, %mul3A_151 : vector<64x1024xf32>
    %log3A_153 = math.log %add3A_152 : vector<64x1024xf32>
    %neg3A_154 = arith.constant 0.000000e+00 : f32
    %neg3A_155 = vector.broadcast %neg3A_154 : f32 to vector<64x1024xf32>
    %neg3A_156 = arith.subf %neg3A_155, %log3A_153 : vector<64x1024xf32>
    %min3A_157 = arith.constant 1.000000e+02 : f32
    %min3A_158 = vector.broadcast %min3A_157 : f32 to vector<64x1024xf32>
    %min3A_159 = arith.minimumf %neg3A_156, %min3A_158 : vector<64x1024xf32>
    %max3A_160 = arith.constant 0.000000e+00 : f32
    %max3A_161 = vector.broadcast %max3A_160 : f32 to vector<64x1024xf32>
    %max3A_162 = arith.maximumf %min3A_159, %max3A_161 : vector<64x1024xf32>
    %bitcast3A_163 = tpu.bitcast %max3A_162 : vector<64x1024xf32> -> vector<64x1024xi32>
    %swap3A_164 = arith.constant 192 : index
    %swap3A_165 = arith.constant 0 : index
    %swap3A_166 = vector.load %arg3[%swap3A_164, %swap3A_165] : memref<256x1024xi32, #tpu.memory_space<vmem>>, vector<64x1024xi32>
    tpu.vector_store %arg3[%swap3A_164, %swap3A_165], %bitcast3A_163 {strides = array<i32>} : memref<256x1024xi32, #tpu.memory_space<vmem>>, vector<64x1024xi32>,
    %get3A_167 = arith.constant 0 : index
    %get3A_168 = memref.load %arg5[%get3A_167] : memref<4xf32, #tpu.memory_space<smem>>
    %add3A_169 = arith.constant 0.000000e+00 : f32
    %add3A_170 = arith.addf %add3A_169, %reduce_sum3A_10 : f32
    %add3A_171 = arith.addf %add3A_170, %reduce_sum3A_46 : f32
    %add3A_172 = arith.addf %add3A_171, %reduce_sum3A_90 : f32
    %add3A_173 = arith.addf %add3A_172, %reduce_sum3A_134 : f32
    %add3A_174 = arith.addf %get3A_168, %add3A_173 : f32
    %swap3A_175 = arith.constant 0 : index
    %swap3A_176 = memref.load %arg5[%swap3A_175] : memref<4xf32, #tpu.memory_space<smem>>
    memref.store %add3A_174, %arg5[%swap3A_175] : memref<4xf32, #tpu.memory_space<smem>>
    %get3A_177 = arith.constant 1 : index
    %get3A_178 = memref.load %arg5[%get3A_177] : memref<4xf32, #tpu.memory_space<smem>>
    %add3A_179 = arith.constant 0.000000e+00 : f32
    %add3A_180 = arith.addf %add3A_179, %reduce_sum3A_15 : f32
    %add3A_181 = arith.addf %add3A_180, %reduce_sum3A_51 : f32
    %add3A_182 = arith.addf %add3A_181, %reduce_sum3A_95 : f32
    %add3A_183 = arith.addf %add3A_182, %reduce_sum3A_139 : f32
    %add3A_184 = arith.addf %get3A_178, %add3A_183 : f32
    %swap3A_185 = arith.constant 1 : index
    %swap3A_186 = memref.load %arg5[%swap3A_185] : memref<4xf32, #tpu.memory_space<smem>>
    memref.store %add3A_184, %arg5[%swap3A_185] : memref<4xf32, #tpu.memory_space<smem>>
    %get3A_187 = arith.constant 2 : index
    %get3A_188 = memref.load %arg5[%get3A_187] : memref<4xf32, #tpu.memory_space<smem>>
    %add3A_189 = arith.constant 0.000000e+00 : f32
    %add3A_190 = arith.addf %add3A_189, %reduce_sum3A_20 : f32
    %add3A_191 = arith.addf %add3A_190, %reduce_sum3A_56 : f32
    %add3A_192 = arith.addf %add3A_191, %reduce_sum3A_100 : f32
    %add3A_193 = arith.addf %add3A_192, %reduce_sum3A_144 : f32
    %add3A_194 = arith.addf %get3A_188, %add3A_193 : f32
    %swap3A_195 = arith.constant 2 : index
    %swap3A_196 = memref.load %arg5[%swap3A_195] : memref<4xf32, #tpu.memory_space<smem>>
    memref.store %add3A_194, %arg5[%swap3A_195] : memref<4xf32, #tpu.memory_space<smem>>
    %eq3A_197 = arith.constant 7 : i32
    %eq3A_198 = arith.cmpi eq, %arg0, %eq3A_197 : i32
    %convert_element_type3A_199 = arith.extui %eq3A_198 : i1 to i32
    %cond3A_200 = arith.constant 0 : i32
    %cond3A_201 = arith.cmpi ne, %convert_element_type3A_199, %cond3A_200 : i32
    scf.if %cond3A_201 {
      %get3A_202 = arith.constant 2 : index
      %get3A_203 = memref.load %arg5[%get3A_202] : memref<4xf32, #tpu.memory_space<smem>>
      %mul3A_204 = arith.constant 2.000000e+00 : f32
      %mul3A_205 = arith.mulf %mul3A_204, %get3A_203 : f32
      %add3A_206 = arith.constant 1.000000e+00 : f32
      %add3A_207 = arith.addf %mul3A_205, %add3A_206 : f32
      %get3A_208 = arith.constant 0 : index
      %get3A_209 = memref.load %arg5[%get3A_208] : memref<4xf32, #tpu.memory_space<smem>>
      %get3A_210 = arith.constant 1 : index
      %get3A_211 = memref.load %arg5[%get3A_210] : memref<4xf32, #tpu.memory_space<smem>>
      %add3A_212 = arith.addf %get3A_209, %get3A_211 : f32
      %add3A_213 = arith.constant 1.000000e+00 : f32
      %add3A_214 = arith.addf %add3A_212, %add3A_213 : f32
      %div3A = arith.divf %add3A_207, %add3A_214 : f32
      %sub3A_215 = arith.constant 1.000000e+00 : f32
      %sub3A_216 = arith.subf %sub3A_215, %div3A : f32
      %reshape3A = vector.broadcast %sub3A_216 : f32 to vector<1x1xf32>
      %swap3A_217 = arith.constant 0 : index
      %swap3A_218 = arith.constant 0 : index
      %swap3A_219 = vector.load %arg4[%swap3A_217, %swap3A_218] : memref<1x1xf32, #tpu.memory_space<vmem>>, vector<1x1xf32>
      tpu.vector_store %arg4[%swap3A_217, %swap3A_218], %reshape3A {strides = array<i32>} : memref<1x1xf32, #tpu.memory_space<vmem>>, vector<1x1xf32>,
    } else {
    }
    return
  }
  func.func @transform_0(%arg0: i32) -> (i32, i32) {
    %c0_i32 = arith.constant 0 : i32
    %c0_i32_0 = arith.constant 0 : i32
    return %arg0, %c0_i32 : i32, i32
  }
  func.func @transform_1(%arg0: i32) -> (i32, i32) {
    %c0_i32 = arith.constant 0 : i32
    %c0_i32_0 = arith.constant 0 : i32
    return %arg0, %c0_i32 : i32, i32
  }
  func.func @transform_2(%arg0: i32) -> (i32, i32) {
    %c0_i32 = arith.constant 0 : i32
    %c0_i32_0 = arith.constant 0 : i32
    return %arg0, %c0_i32 : i32, i32
  }
  func.func @transform_3(%arg0: i32) -> (i32, i32) {
    %c0_i32 = arith.constant 0 : i32
    %c0_i32_0 = arith.constant 0 : i32
    %c0_i32_1 = arith.constant 0 : i32
    return %c0_i32, %c0_i32_0 : i32, i32
  }
}

module attributes {stable_mosaic.version = 14 : i64} {
  func.func @_tc2_body(%arg0: memref<2048x1024xi32, #tpu.memory_space<vmem>>, %arg1: memref<32x272x128xi32, #tpu.memory_space<vmem>>, %arg2: memref<1x1xf32, #tpu.memory_space<vmem>>, %arg3: memref<1x1xf32, #tpu.memory_space<vmem>>) attributes {dimension_semantics = [], scalar_prefetch = 0 : i64, scratch_operands = 0 : i64, tpu.core_type = #tpu.core_type<tc>} {
    %get3A = arith.constant 0 : index
    %get3A_0 = arith.constant 0 : index
    %get3A_1 = arith.constant 0 : index
    %get3A_2 = vector.load %arg1[%get3A, %get3A_0, %get3A_1] : memref<32x272x128xi32, #tpu.memory_space<vmem>>, vector<32x272x128xi32>
    %reduce_sum3A = arith.constant dense<0> : vector<272x128xi32>
    %reduce_sum3A_3 = vector.multi_reduction <add>, %get3A_2, %reduce_sum3A [0] : vector<32x272x128xi32> to vector<272x128xi32>
    %iota3A = tpu.iota {dimensions = array<i32: 0>} : vector<272x128xi32>
    %iota3A_4 = tpu.iota {dimensions = array<i32: 1>} : vector<272x128xi32>
    %mul3A = arith.constant 128 : i32
    %mul3A_5 = vector.broadcast %mul3A : i32 to vector<272x128xi32>
    %mul3A_6 = arith.muli %iota3A, %mul3A_5 : vector<272x128xi32>
    %add3A = arith.addi %mul3A_6, %iota3A_4 : vector<272x128xi32>
    %scan3A = arith.constant 0 : i32
    %scan3A_7 = arith.constant 34815 : i32
    %scan3A_8 = arith.constant 0 : i32
    %scan3A_9 = arith.constant 16 : i32
    %scan3A_10 = arith.addi %scan3A_8, %scan3A_9 : i32
    %scan3A_11 = arith.constant 1 : i32
    %scan3A_12:2 = scf.for %scan3A_726 = %scan3A_8 to %scan3A_10 step %scan3A_11 iter_args(%scan3A_727 = %scan3A, %scan3A_728 = %scan3A_7) -> (i32, i32)  : i32 {
      %sub3A_729 = arith.subi %scan3A_728, %scan3A_727 : i32
      %add3A_730 = arith.constant 1 : i32
      %add3A_731 = arith.addi %sub3A_729, %add3A_730 : i32
      %jit3A = arith.constant 2 : i32
      %div3A_732 = arith.divsi %add3A_731, %jit3A : i32
      %sign3A = arith.constant 0 : i32
      %sign3A_733 = arith.cmpi sgt, %add3A_731, %sign3A : i32
      %sign3A_734 = arith.extui %sign3A_733 : i1 to i32
      %sign3A_735 = arith.constant 0 : i32
      %sign3A_736 = arith.cmpi slt, %add3A_731, %sign3A_735 : i32
      %sign3A_737 = arith.extui %sign3A_736 : i1 to i32
      %sign3A_738 = arith.subi %sign3A_734, %sign3A_737 : i32
      %sign3A_739 = arith.constant 0 : i32
      %sign3A_740 = arith.cmpi sgt, %jit3A, %sign3A_739 : i32
      %sign3A_741 = arith.extui %sign3A_740 : i1 to i32
      %sign3A_742 = arith.constant 0 : i32
      %sign3A_743 = arith.cmpi slt, %jit3A, %sign3A_742 : i32
      %sign3A_744 = arith.extui %sign3A_743 : i1 to i32
      %sign3A_745 = arith.subi %sign3A_741, %sign3A_744 : i32
      %ne3A = arith.cmpi ne, %sign3A_738, %sign3A_745 : i32
      %rem3A = arith.remsi %add3A_731, %jit3A : i32
      %ne3A_746 = arith.constant 0 : i32
      %ne3A_747 = arith.cmpi ne, %rem3A, %ne3A_746 : i32
      %and3A = arith.andi %ne3A, %ne3A_747 : i1
      %sub3A_748 = arith.constant 1 : i32
      %sub3A_749 = arith.subi %div3A_732, %sub3A_748 : i32
      %select_n3A = arith.select %and3A, %sub3A_749, %div3A_732 : i32
      %add3A_750 = arith.addi %scan3A_727, %select_n3A : i32
      %sub3A_751 = vector.broadcast %add3A_750 : i32 to vector<272x128xi32>
      %sub3A_752 = arith.subi %add3A, %sub3A_751 : vector<272x128xi32>
      %shift_right_logical3A_753 = arith.constant 31 : i32
      %shift_right_logical3A_754 = vector.broadcast %shift_right_logical3A_753 : i32 to vector<272x128xi32>
      %shift_right_logical3A_755 = arith.shrui %sub3A_752, %shift_right_logical3A_754 : vector<272x128xi32>
      %sub3A_756 = arith.constant 1 : i32
      %sub3A_757 = vector.broadcast %sub3A_756 : i32 to vector<272x128xi32>
      %sub3A_758 = arith.subi %sub3A_757, %shift_right_logical3A_755 : vector<272x128xi32>
      %mul3A_759 = arith.muli %reduce_sum3A_3, %sub3A_758 : vector<272x128xi32>
      %reduce_sum3A_760 = vector.shape_cast %mul3A_759 : vector<272x128xi32> to vector<1x272x128xi32>
      %reduce_sum3A_761 = arith.constant dense<0> : vector<1xi32>
      %reduce_sum3A_762 = vector.multi_reduction <add>, %reduce_sum3A_760, %reduce_sum3A_761 [1, 2] : vector<1x272x128xi32> to vector<1xi32>
      %reduce_sum3A_763 = vector.shape_cast %reduce_sum3A_762 : vector<1xi32> to vector<1x1x1xi32>
      %reduce_sum3A_764 = vector.extract %reduce_sum3A_763[0, 0, 0] : i32 from vector<1x1x1xi32>
      %ge3A = arith.constant 209715 : i32
      %ge3A_765 = arith.cmpi sge, %reduce_sum3A_764, %ge3A : i32
      %select_n3A_766 = arith.select %ge3A_765, %add3A_750, %scan3A_727 : i32
      %sub3A_767 = arith.constant 1 : i32
      %sub3A_768 = arith.subi %add3A_750, %sub3A_767 : i32
      %select_n3A_769 = arith.select %ge3A_765, %scan3A_728, %sub3A_768 : i32
      scf.yield %select_n3A_766, %select_n3A_769 : i32, i32
    }
    %shift_left3A = arith.constant 15 : i32
    %shift_left3A_13 = arith.shli %scan3A_12#0, %shift_left3A : i32
    %add3A_14 = arith.constant 32767 : i32
    %add3A_15 = arith.addi %shift_left3A_13, %add3A_14 : i32
    %scan3A_16 = arith.constant 0 : i32
    %scan3A_17 = arith.constant 7 : i32
    %scan3A_18 = arith.addi %scan3A_16, %scan3A_17 : i32
    %scan3A_19 = arith.constant 1 : i32
    %scan3A_20:2 = scf.for %scan3A_726 = %scan3A_16 to %scan3A_18 step %scan3A_19 iter_args(%scan3A_727 = %shift_left3A_13, %scan3A_728 = %add3A_15) -> (i32, i32)  : i32 {
      %sub3A_729 = arith.subi %scan3A_728, %scan3A_727 : i32
      %add3A_730 = arith.constant 1 : i32
      %add3A_731 = arith.addi %sub3A_729, %add3A_730 : i32
      %jit3A = arith.constant 2 : i32
      %div3A_732 = arith.divsi %add3A_731, %jit3A : i32
      %sign3A = arith.constant 0 : i32
      %sign3A_733 = arith.cmpi sgt, %add3A_731, %sign3A : i32
      %sign3A_734 = arith.extui %sign3A_733 : i1 to i32
      %sign3A_735 = arith.constant 0 : i32
      %sign3A_736 = arith.cmpi slt, %add3A_731, %sign3A_735 : i32
      %sign3A_737 = arith.extui %sign3A_736 : i1 to i32
      %sign3A_738 = arith.subi %sign3A_734, %sign3A_737 : i32
      %sign3A_739 = arith.constant 0 : i32
      %sign3A_740 = arith.cmpi sgt, %jit3A, %sign3A_739 : i32
      %sign3A_741 = arith.extui %sign3A_740 : i1 to i32
      %sign3A_742 = arith.constant 0 : i32
      %sign3A_743 = arith.cmpi slt, %jit3A, %sign3A_742 : i32
      %sign3A_744 = arith.extui %sign3A_743 : i1 to i32
      %sign3A_745 = arith.subi %sign3A_741, %sign3A_744 : i32
      %ne3A = arith.cmpi ne, %sign3A_738, %sign3A_745 : i32
      %rem3A = arith.remsi %add3A_731, %jit3A : i32
      %ne3A_746 = arith.constant 0 : i32
      %ne3A_747 = arith.cmpi ne, %rem3A, %ne3A_746 : i32
      %and3A = arith.andi %ne3A, %ne3A_747 : i1
      %sub3A_748 = arith.constant 1 : i32
      %sub3A_749 = arith.subi %div3A_732, %sub3A_748 : i32
      %select_n3A = arith.select %and3A, %sub3A_749, %div3A_732 : i32
      %add3A_750 = arith.addi %scan3A_727, %select_n3A : i32
      %get3A_751 = arith.constant 0 : index
      %get3A_752 = arith.constant 0 : index
      %get3A_753 = vector.load %arg0[%get3A_751, %get3A_752] : memref<2048x1024xi32, #tpu.memory_space<vmem>>, vector<128x1024xi32>
      %sub3A_754 = vector.broadcast %add3A_750 : i32 to vector<128x1024xi32>
      %sub3A_755 = arith.subi %get3A_753, %sub3A_754 : vector<128x1024xi32>
      %shift_right_logical3A_756 = arith.constant 31 : i32
      %shift_right_logical3A_757 = vector.broadcast %shift_right_logical3A_756 : i32 to vector<128x1024xi32>
      %shift_right_logical3A_758 = arith.shrui %sub3A_755, %shift_right_logical3A_757 : vector<128x1024xi32>
      %reduce_sum3A_759 = vector.shape_cast %shift_right_logical3A_758 : vector<128x1024xi32> to vector<1x128x1024xi32>
      %reduce_sum3A_760 = arith.constant dense<0> : vector<1xi32>
      %reduce_sum3A_761 = vector.multi_reduction <add>, %reduce_sum3A_759, %reduce_sum3A_760 [1, 2] : vector<1x128x1024xi32> to vector<1xi32>
      %reduce_sum3A_762 = vector.shape_cast %reduce_sum3A_761 : vector<1xi32> to vector<1x1x1xi32>
      %reduce_sum3A_763 = vector.extract %reduce_sum3A_762[0, 0, 0] : i32 from vector<1x1x1xi32>
      %get3A_764 = arith.constant 128 : index
      %get3A_765 = arith.constant 0 : index
      %get3A_766 = vector.load %arg0[%get3A_764, %get3A_765] : memref<2048x1024xi32, #tpu.memory_space<vmem>>, vector<128x1024xi32>
      %sub3A_767 = vector.broadcast %add3A_750 : i32 to vector<128x1024xi32>
      %sub3A_768 = arith.subi %get3A_766, %sub3A_767 : vector<128x1024xi32>
      %shift_right_logical3A_769 = arith.constant 31 : i32
      %shift_right_logical3A_770 = vector.broadcast %shift_right_logical3A_769 : i32 to vector<128x1024xi32>
      %shift_right_logical3A_771 = arith.shrui %sub3A_768, %shift_right_logical3A_770 : vector<128x1024xi32>
      %reduce_sum3A_772 = vector.shape_cast %shift_right_logical3A_771 : vector<128x1024xi32> to vector<1x128x1024xi32>
      %reduce_sum3A_773 = arith.constant dense<0> : vector<1xi32>
      %reduce_sum3A_774 = vector.multi_reduction <add>, %reduce_sum3A_772, %reduce_sum3A_773 [1, 2] : vector<1x128x1024xi32> to vector<1xi32>
      %reduce_sum3A_775 = vector.shape_cast %reduce_sum3A_774 : vector<1xi32> to vector<1x1x1xi32>
      %reduce_sum3A_776 = vector.extract %reduce_sum3A_775[0, 0, 0] : i32 from vector<1x1x1xi32>
      %get3A_777 = arith.constant 256 : index
      %get3A_778 = arith.constant 0 : index
      %get3A_779 = vector.load %arg0[%get3A_777, %get3A_778] : memref<2048x1024xi32, #tpu.memory_space<vmem>>, vector<128x1024xi32>
      %sub3A_780 = vector.broadcast %add3A_750 : i32 to vector<128x1024xi32>
      %sub3A_781 = arith.subi %get3A_779, %sub3A_780 : vector<128x1024xi32>
      %shift_right_logical3A_782 = arith.constant 31 : i32
      %shift_right_logical3A_783 = vector.broadcast %shift_right_logical3A_782 : i32 to vector<128x1024xi32>
      %shift_right_logical3A_784 = arith.shrui %sub3A_781, %shift_right_logical3A_783 : vector<128x1024xi32>
      %reduce_sum3A_785 = vector.shape_cast %shift_right_logical3A_784 : vector<128x1024xi32> to vector<1x128x1024xi32>
      %reduce_sum3A_786 = arith.constant dense<0> : vector<1xi32>
      %reduce_sum3A_787 = vector.multi_reduction <add>, %reduce_sum3A_785, %reduce_sum3A_786 [1, 2] : vector<1x128x1024xi32> to vector<1xi32>
      %reduce_sum3A_788 = vector.shape_cast %reduce_sum3A_787 : vector<1xi32> to vector<1x1x1xi32>
      %reduce_sum3A_789 = vector.extract %reduce_sum3A_788[0, 0, 0] : i32 from vector<1x1x1xi32>
      %get3A_790 = arith.constant 384 : index
      %get3A_791 = arith.constant 0 : index
      %get3A_792 = vector.load %arg0[%get3A_790, %get3A_791] : memref<2048x1024xi32, #tpu.memory_space<vmem>>, vector<128x1024xi32>
      %sub3A_793 = vector.broadcast %add3A_750 : i32 to vector<128x1024xi32>
      %sub3A_794 = arith.subi %get3A_792, %sub3A_793 : vector<128x1024xi32>
      %shift_right_logical3A_795 = arith.constant 31 : i32
      %shift_right_logical3A_796 = vector.broadcast %shift_right_logical3A_795 : i32 to vector<128x1024xi32>
      %shift_right_logical3A_797 = arith.shrui %sub3A_794, %shift_right_logical3A_796 : vector<128x1024xi32>
      %reduce_sum3A_798 = vector.shape_cast %shift_right_logical3A_797 : vector<128x1024xi32> to vector<1x128x1024xi32>
      %reduce_sum3A_799 = arith.constant dense<0> : vector<1xi32>
      %reduce_sum3A_800 = vector.multi_reduction <add>, %reduce_sum3A_798, %reduce_sum3A_799 [1, 2] : vector<1x128x1024xi32> to vector<1xi32>
      %reduce_sum3A_801 = vector.shape_cast %reduce_sum3A_800 : vector<1xi32> to vector<1x1x1xi32>
      %reduce_sum3A_802 = vector.extract %reduce_sum3A_801[0, 0, 0] : i32 from vector<1x1x1xi32>
      %get3A_803 = arith.constant 512 : index
      %get3A_804 = arith.constant 0 : index
      %get3A_805 = vector.load %arg0[%get3A_803, %get3A_804] : memref<2048x1024xi32, #tpu.memory_space<vmem>>, vector<128x1024xi32>
      %sub3A_806 = vector.broadcast %add3A_750 : i32 to vector<128x1024xi32>
      %sub3A_807 = arith.subi %get3A_805, %sub3A_806 : vector<128x1024xi32>
      %shift_right_logical3A_808 = arith.constant 31 : i32
      %shift_right_logical3A_809 = vector.broadcast %shift_right_logical3A_808 : i32 to vector<128x1024xi32>
      %shift_right_logical3A_810 = arith.shrui %sub3A_807, %shift_right_logical3A_809 : vector<128x1024xi32>
      %reduce_sum3A_811 = vector.shape_cast %shift_right_logical3A_810 : vector<128x1024xi32> to vector<1x128x1024xi32>
      %reduce_sum3A_812 = arith.constant dense<0> : vector<1xi32>
      %reduce_sum3A_813 = vector.multi_reduction <add>, %reduce_sum3A_811, %reduce_sum3A_812 [1, 2] : vector<1x128x1024xi32> to vector<1xi32>
      %reduce_sum3A_814 = vector.shape_cast %reduce_sum3A_813 : vector<1xi32> to vector<1x1x1xi32>
      %reduce_sum3A_815 = vector.extract %reduce_sum3A_814[0, 0, 0] : i32 from vector<1x1x1xi32>
      %get3A_816 = arith.constant 640 : index
      %get3A_817 = arith.constant 0 : index
      %get3A_818 = vector.load %arg0[%get3A_816, %get3A_817] : memref<2048x1024xi32, #tpu.memory_space<vmem>>, vector<128x1024xi32>
      %sub3A_819 = vector.broadcast %add3A_750 : i32 to vector<128x1024xi32>
      %sub3A_820 = arith.subi %get3A_818, %sub3A_819 : vector<128x1024xi32>
      %shift_right_logical3A_821 = arith.constant 31 : i32
      %shift_right_logical3A_822 = vector.broadcast %shift_right_logical3A_821 : i32 to vector<128x1024xi32>
      %shift_right_logical3A_823 = arith.shrui %sub3A_820, %shift_right_logical3A_822 : vector<128x1024xi32>
      %reduce_sum3A_824 = vector.shape_cast %shift_right_logical3A_823 : vector<128x1024xi32> to vector<1x128x1024xi32>
      %reduce_sum3A_825 = arith.constant dense<0> : vector<1xi32>
      %reduce_sum3A_826 = vector.multi_reduction <add>, %reduce_sum3A_824, %reduce_sum3A_825 [1, 2] : vector<1x128x1024xi32> to vector<1xi32>
      %reduce_sum3A_827 = vector.shape_cast %reduce_sum3A_826 : vector<1xi32> to vector<1x1x1xi32>
      %reduce_sum3A_828 = vector.extract %reduce_sum3A_827[0, 0, 0] : i32 from vector<1x1x1xi32>
      %get3A_829 = arith.constant 768 : index
      %get3A_830 = arith.constant 0 : index
      %get3A_831 = vector.load %arg0[%get3A_829, %get3A_830] : memref<2048x1024xi32, #tpu.memory_space<vmem>>, vector<128x1024xi32>
      %sub3A_832 = vector.broadcast %add3A_750 : i32 to vector<128x1024xi32>
      %sub3A_833 = arith.subi %get3A_831, %sub3A_832 : vector<128x1024xi32>
      %shift_right_logical3A_834 = arith.constant 31 : i32
      %shift_right_logical3A_835 = vector.broadcast %shift_right_logical3A_834 : i32 to vector<128x1024xi32>
      %shift_right_logical3A_836 = arith.shrui %sub3A_833, %shift_right_logical3A_835 : vector<128x1024xi32>
      %reduce_sum3A_837 = vector.shape_cast %shift_right_logical3A_836 : vector<128x1024xi32> to vector<1x128x1024xi32>
      %reduce_sum3A_838 = arith.constant dense<0> : vector<1xi32>
      %reduce_sum3A_839 = vector.multi_reduction <add>, %reduce_sum3A_837, %reduce_sum3A_838 [1, 2] : vector<1x128x1024xi32> to vector<1xi32>
      %reduce_sum3A_840 = vector.shape_cast %reduce_sum3A_839 : vector<1xi32> to vector<1x1x1xi32>
      %reduce_sum3A_841 = vector.extract %reduce_sum3A_840[0, 0, 0] : i32 from vector<1x1x1xi32>
      %get3A_842 = arith.constant 896 : index
      %get3A_843 = arith.constant 0 : index
      %get3A_844 = vector.load %arg0[%get3A_842, %get3A_843] : memref<2048x1024xi32, #tpu.memory_space<vmem>>, vector<128x1024xi32>
      %sub3A_845 = vector.broadcast %add3A_750 : i32 to vector<128x1024xi32>
      %sub3A_846 = arith.subi %get3A_844, %sub3A_845 : vector<128x1024xi32>
      %shift_right_logical3A_847 = arith.constant 31 : i32
      %shift_right_logical3A_848 = vector.broadcast %shift_right_logical3A_847 : i32 to vector<128x1024xi32>
      %shift_right_logical3A_849 = arith.shrui %sub3A_846, %shift_right_logical3A_848 : vector<128x1024xi32>
      %reduce_sum3A_850 = vector.shape_cast %shift_right_logical3A_849 : vector<128x1024xi32> to vector<1x128x1024xi32>
      %reduce_sum3A_851 = arith.constant dense<0> : vector<1xi32>
      %reduce_sum3A_852 = vector.multi_reduction <add>, %reduce_sum3A_850, %reduce_sum3A_851 [1, 2] : vector<1x128x1024xi32> to vector<1xi32>
      %reduce_sum3A_853 = vector.shape_cast %reduce_sum3A_852 : vector<1xi32> to vector<1x1x1xi32>
      %reduce_sum3A_854 = vector.extract %reduce_sum3A_853[0, 0, 0] : i32 from vector<1x1x1xi32>
      %get3A_855 = arith.constant 1024 : index
      %get3A_856 = arith.constant 0 : index
      %get3A_857 = vector.load %arg0[%get3A_855, %get3A_856] : memref<2048x1024xi32, #tpu.memory_space<vmem>>, vector<128x1024xi32>
      %sub3A_858 = vector.broadcast %add3A_750 : i32 to vector<128x1024xi32>
      %sub3A_859 = arith.subi %get3A_857, %sub3A_858 : vector<128x1024xi32>
      %shift_right_logical3A_860 = arith.constant 31 : i32
      %shift_right_logical3A_861 = vector.broadcast %shift_right_logical3A_860 : i32 to vector<128x1024xi32>
      %shift_right_logical3A_862 = arith.shrui %sub3A_859, %shift_right_logical3A_861 : vector<128x1024xi32>
      %reduce_sum3A_863 = vector.shape_cast %shift_right_logical3A_862 : vector<128x1024xi32> to vector<1x128x1024xi32>
      %reduce_sum3A_864 = arith.constant dense<0> : vector<1xi32>
      %reduce_sum3A_865 = vector.multi_reduction <add>, %reduce_sum3A_863, %reduce_sum3A_864 [1, 2] : vector<1x128x1024xi32> to vector<1xi32>
      %reduce_sum3A_866 = vector.shape_cast %reduce_sum3A_865 : vector<1xi32> to vector<1x1x1xi32>
      %reduce_sum3A_867 = vector.extract %reduce_sum3A_866[0, 0, 0] : i32 from vector<1x1x1xi32>
      %get3A_868 = arith.constant 1152 : index
      %get3A_869 = arith.constant 0 : index
      %get3A_870 = vector.load %arg0[%get3A_868, %get3A_869] : memref<2048x1024xi32, #tpu.memory_space<vmem>>, vector<128x1024xi32>
      %sub3A_871 = vector.broadcast %add3A_750 : i32 to vector<128x1024xi32>
      %sub3A_872 = arith.subi %get3A_870, %sub3A_871 : vector<128x1024xi32>
      %shift_right_logical3A_873 = arith.constant 31 : i32
      %shift_right_logical3A_874 = vector.broadcast %shift_right_logical3A_873 : i32 to vector<128x1024xi32>
      %shift_right_logical3A_875 = arith.shrui %sub3A_872, %shift_right_logical3A_874 : vector<128x1024xi32>
      %reduce_sum3A_876 = vector.shape_cast %shift_right_logical3A_875 : vector<128x1024xi32> to vector<1x128x1024xi32>
      %reduce_sum3A_877 = arith.constant dense<0> : vector<1xi32>
      %reduce_sum3A_878 = vector.multi_reduction <add>, %reduce_sum3A_876, %reduce_sum3A_877 [1, 2] : vector<1x128x1024xi32> to vector<1xi32>
      %reduce_sum3A_879 = vector.shape_cast %reduce_sum3A_878 : vector<1xi32> to vector<1x1x1xi32>
      %reduce_sum3A_880 = vector.extract %reduce_sum3A_879[0, 0, 0] : i32 from vector<1x1x1xi32>
      %get3A_881 = arith.constant 1280 : index
      %get3A_882 = arith.constant 0 : index
      %get3A_883 = vector.load %arg0[%get3A_881, %get3A_882] : memref<2048x1024xi32, #tpu.memory_space<vmem>>, vector<128x1024xi32>
      %sub3A_884 = vector.broadcast %add3A_750 : i32 to vector<128x1024xi32>
      %sub3A_885 = arith.subi %get3A_883, %sub3A_884 : vector<128x1024xi32>
      %shift_right_logical3A_886 = arith.constant 31 : i32
      %shift_right_logical3A_887 = vector.broadcast %shift_right_logical3A_886 : i32 to vector<128x1024xi32>
      %shift_right_logical3A_888 = arith.shrui %sub3A_885, %shift_right_logical3A_887 : vector<128x1024xi32>
      %reduce_sum3A_889 = vector.shape_cast %shift_right_logical3A_888 : vector<128x1024xi32> to vector<1x128x1024xi32>
      %reduce_sum3A_890 = arith.constant dense<0> : vector<1xi32>
      %reduce_sum3A_891 = vector.multi_reduction <add>, %reduce_sum3A_889, %reduce_sum3A_890 [1, 2] : vector<1x128x1024xi32> to vector<1xi32>
      %reduce_sum3A_892 = vector.shape_cast %reduce_sum3A_891 : vector<1xi32> to vector<1x1x1xi32>
      %reduce_sum3A_893 = vector.extract %reduce_sum3A_892[0, 0, 0] : i32 from vector<1x1x1xi32>
      %get3A_894 = arith.constant 1408 : index
      %get3A_895 = arith.constant 0 : index
      %get3A_896 = vector.load %arg0[%get3A_894, %get3A_895] : memref<2048x1024xi32, #tpu.memory_space<vmem>>, vector<128x1024xi32>
      %sub3A_897 = vector.broadcast %add3A_750 : i32 to vector<128x1024xi32>
      %sub3A_898 = arith.subi %get3A_896, %sub3A_897 : vector<128x1024xi32>
      %shift_right_logical3A_899 = arith.constant 31 : i32
      %shift_right_logical3A_900 = vector.broadcast %shift_right_logical3A_899 : i32 to vector<128x1024xi32>
      %shift_right_logical3A_901 = arith.shrui %sub3A_898, %shift_right_logical3A_900 : vector<128x1024xi32>
      %reduce_sum3A_902 = vector.shape_cast %shift_right_logical3A_901 : vector<128x1024xi32> to vector<1x128x1024xi32>
      %reduce_sum3A_903 = arith.constant dense<0> : vector<1xi32>
      %reduce_sum3A_904 = vector.multi_reduction <add>, %reduce_sum3A_902, %reduce_sum3A_903 [1, 2] : vector<1x128x1024xi32> to vector<1xi32>
      %reduce_sum3A_905 = vector.shape_cast %reduce_sum3A_904 : vector<1xi32> to vector<1x1x1xi32>
      %reduce_sum3A_906 = vector.extract %reduce_sum3A_905[0, 0, 0] : i32 from vector<1x1x1xi32>
      %get3A_907 = arith.constant 1536 : index
      %get3A_908 = arith.constant 0 : index
      %get3A_909 = vector.load %arg0[%get3A_907, %get3A_908] : memref<2048x1024xi32, #tpu.memory_space<vmem>>, vector<128x1024xi32>
      %sub3A_910 = vector.broadcast %add3A_750 : i32 to vector<128x1024xi32>
      %sub3A_911 = arith.subi %get3A_909, %sub3A_910 : vector<128x1024xi32>
      %shift_right_logical3A_912 = arith.constant 31 : i32
      %shift_right_logical3A_913 = vector.broadcast %shift_right_logical3A_912 : i32 to vector<128x1024xi32>
      %shift_right_logical3A_914 = arith.shrui %sub3A_911, %shift_right_logical3A_913 : vector<128x1024xi32>
      %reduce_sum3A_915 = vector.shape_cast %shift_right_logical3A_914 : vector<128x1024xi32> to vector<1x128x1024xi32>
      %reduce_sum3A_916 = arith.constant dense<0> : vector<1xi32>
      %reduce_sum3A_917 = vector.multi_reduction <add>, %reduce_sum3A_915, %reduce_sum3A_916 [1, 2] : vector<1x128x1024xi32> to vector<1xi32>
      %reduce_sum3A_918 = vector.shape_cast %reduce_sum3A_917 : vector<1xi32> to vector<1x1x1xi32>
      %reduce_sum3A_919 = vector.extract %reduce_sum3A_918[0, 0, 0] : i32 from vector<1x1x1xi32>
      %get3A_920 = arith.constant 1664 : index
      %get3A_921 = arith.constant 0 : index
      %get3A_922 = vector.load %arg0[%get3A_920, %get3A_921] : memref<2048x1024xi32, #tpu.memory_space<vmem>>, vector<128x1024xi32>
      %sub3A_923 = vector.broadcast %add3A_750 : i32 to vector<128x1024xi32>
      %sub3A_924 = arith.subi %get3A_922, %sub3A_923 : vector<128x1024xi32>
      %shift_right_logical3A_925 = arith.constant 31 : i32
      %shift_right_logical3A_926 = vector.broadcast %shift_right_logical3A_925 : i32 to vector<128x1024xi32>
      %shift_right_logical3A_927 = arith.shrui %sub3A_924, %shift_right_logical3A_926 : vector<128x1024xi32>
      %reduce_sum3A_928 = vector.shape_cast %shift_right_logical3A_927 : vector<128x1024xi32> to vector<1x128x1024xi32>
      %reduce_sum3A_929 = arith.constant dense<0> : vector<1xi32>
      %reduce_sum3A_930 = vector.multi_reduction <add>, %reduce_sum3A_928, %reduce_sum3A_929 [1, 2] : vector<1x128x1024xi32> to vector<1xi32>
      %reduce_sum3A_931 = vector.shape_cast %reduce_sum3A_930 : vector<1xi32> to vector<1x1x1xi32>
      %reduce_sum3A_932 = vector.extract %reduce_sum3A_931[0, 0, 0] : i32 from vector<1x1x1xi32>
      %get3A_933 = arith.constant 1792 : index
      %get3A_934 = arith.constant 0 : index
      %get3A_935 = vector.load %arg0[%get3A_933, %get3A_934] : memref<2048x1024xi32, #tpu.memory_space<vmem>>, vector<128x1024xi32>
      %sub3A_936 = vector.broadcast %add3A_750 : i32 to vector<128x1024xi32>
      %sub3A_937 = arith.subi %get3A_935, %sub3A_936 : vector<128x1024xi32>
      %shift_right_logical3A_938 = arith.constant 31 : i32
      %shift_right_logical3A_939 = vector.broadcast %shift_right_logical3A_938 : i32 to vector<128x1024xi32>
      %shift_right_logical3A_940 = arith.shrui %sub3A_937, %shift_right_logical3A_939 : vector<128x1024xi32>
      %reduce_sum3A_941 = vector.shape_cast %shift_right_logical3A_940 : vector<128x1024xi32> to vector<1x128x1024xi32>
      %reduce_sum3A_942 = arith.constant dense<0> : vector<1xi32>
      %reduce_sum3A_943 = vector.multi_reduction <add>, %reduce_sum3A_941, %reduce_sum3A_942 [1, 2] : vector<1x128x1024xi32> to vector<1xi32>
      %reduce_sum3A_944 = vector.shape_cast %reduce_sum3A_943 : vector<1xi32> to vector<1x1x1xi32>
      %reduce_sum3A_945 = vector.extract %reduce_sum3A_944[0, 0, 0] : i32 from vector<1x1x1xi32>
      %get3A_946 = arith.constant 1920 : index
      %get3A_947 = arith.constant 0 : index
      %get3A_948 = vector.load %arg0[%get3A_946, %get3A_947] : memref<2048x1024xi32, #tpu.memory_space<vmem>>, vector<128x1024xi32>
      %sub3A_949 = vector.broadcast %add3A_750 : i32 to vector<128x1024xi32>
      %sub3A_950 = arith.subi %get3A_948, %sub3A_949 : vector<128x1024xi32>
      %shift_right_logical3A_951 = arith.constant 31 : i32
      %shift_right_logical3A_952 = vector.broadcast %shift_right_logical3A_951 : i32 to vector<128x1024xi32>
      %shift_right_logical3A_953 = arith.shrui %sub3A_950, %shift_right_logical3A_952 : vector<128x1024xi32>
      %reduce_sum3A_954 = vector.shape_cast %shift_right_logical3A_953 : vector<128x1024xi32> to vector<1x128x1024xi32>
      %reduce_sum3A_955 = arith.constant dense<0> : vector<1xi32>
      %reduce_sum3A_956 = vector.multi_reduction <add>, %reduce_sum3A_954, %reduce_sum3A_955 [1, 2] : vector<1x128x1024xi32> to vector<1xi32>
      %reduce_sum3A_957 = vector.shape_cast %reduce_sum3A_956 : vector<1xi32> to vector<1x1x1xi32>
      %reduce_sum3A_958 = vector.extract %reduce_sum3A_957[0, 0, 0] : i32 from vector<1x1x1xi32>
      %add3A_959 = arith.constant 0 : i32
      %add3A_960 = arith.addi %add3A_959, %reduce_sum3A_763 : i32
      %add3A_961 = arith.addi %add3A_960, %reduce_sum3A_776 : i32
      %add3A_962 = arith.addi %add3A_961, %reduce_sum3A_789 : i32
      %add3A_963 = arith.addi %add3A_962, %reduce_sum3A_802 : i32
      %add3A_964 = arith.addi %add3A_963, %reduce_sum3A_815 : i32
      %add3A_965 = arith.addi %add3A_964, %reduce_sum3A_828 : i32
      %add3A_966 = arith.addi %add3A_965, %reduce_sum3A_841 : i32
      %add3A_967 = arith.addi %add3A_966, %reduce_sum3A_854 : i32
      %add3A_968 = arith.addi %add3A_967, %reduce_sum3A_867 : i32
      %add3A_969 = arith.addi %add3A_968, %reduce_sum3A_880 : i32
      %add3A_970 = arith.addi %add3A_969, %reduce_sum3A_893 : i32
      %add3A_971 = arith.addi %add3A_970, %reduce_sum3A_906 : i32
      %add3A_972 = arith.addi %add3A_971, %reduce_sum3A_919 : i32
      %add3A_973 = arith.addi %add3A_972, %reduce_sum3A_932 : i32
      %add3A_974 = arith.addi %add3A_973, %reduce_sum3A_945 : i32
      %add3A_975 = arith.addi %add3A_974, %reduce_sum3A_958 : i32
      %le3A = arith.constant 1887437 : i32
      %le3A_976 = arith.cmpi sle, %add3A_975, %le3A : i32
      %select_n3A_977 = arith.select %le3A_976, %add3A_750, %scan3A_727 : i32
      %sub3A_978 = arith.constant 1 : i32
      %sub3A_979 = arith.subi %add3A_750, %sub3A_978 : i32
      %select_n3A_980 = arith.select %le3A_976, %scan3A_728, %sub3A_979 : i32
      scf.yield %select_n3A_977, %select_n3A_980 : i32, i32
    }
    %get3A_21 = arith.constant 0 : index
    %get3A_22 = arith.constant 0 : index
    %get3A_23 = vector.load %arg0[%get3A_21, %get3A_22] : memref<2048x1024xi32, #tpu.memory_space<vmem>>, vector<128x1024xi32>
    %bitcast3A = tpu.bitcast %get3A_23 : vector<128x1024xi32> -> vector<128x1024xf32>
    %add3A_24 = arith.constant 1 : i32
    %add3A_25 = arith.addi %scan3A_20#0, %add3A_24 : i32
    %sub3A = vector.broadcast %add3A_25 : i32 to vector<128x1024xi32>
    %sub3A_26 = arith.subi %get3A_23, %sub3A : vector<128x1024xi32>
    %shift_right_logical3A = arith.constant 31 : i32
    %shift_right_logical3A_27 = vector.broadcast %shift_right_logical3A : i32 to vector<128x1024xi32>
    %shift_right_logical3A_28 = arith.shrui %sub3A_26, %shift_right_logical3A_27 : vector<128x1024xi32>
    %reduce_sum3A_29 = vector.shape_cast %shift_right_logical3A_28 : vector<128x1024xi32> to vector<1x128x1024xi32>
    %reduce_sum3A_30 = arith.constant dense<0> : vector<1xi32>
    %reduce_sum3A_31 = vector.multi_reduction <add>, %reduce_sum3A_29, %reduce_sum3A_30 [1, 2] : vector<1x128x1024xi32> to vector<1xi32>
    %reduce_sum3A_32 = vector.shape_cast %reduce_sum3A_31 : vector<1xi32> to vector<1x1x1xi32>
    %reduce_sum3A_33 = vector.extract %reduce_sum3A_32[0, 0, 0] : i32 from vector<1x1x1xi32>
    %sub3A_34 = arith.constant 1 : i32
    %sub3A_35 = vector.broadcast %sub3A_34 : i32 to vector<128x1024xi32>
    %sub3A_36 = arith.subi %sub3A_35, %shift_right_logical3A_28 : vector<128x1024xi32>
    %convert_element_type3A = arith.sitofp %sub3A_36 : vector<128x1024xi32> to vector<128x1024xf32>
    %mul3A_37 = arith.mulf %bitcast3A, %convert_element_type3A : vector<128x1024xf32>
    %reduce_sum3A_38 = vector.shape_cast %mul3A_37 : vector<128x1024xf32> to vector<1x128x1024xf32>
    %reduce_sum3A_39 = arith.constant dense<0.000000e+00> : vector<1xf32>
    %reduce_sum3A_40 = vector.multi_reduction <add>, %reduce_sum3A_38, %reduce_sum3A_39 [1, 2] : vector<1x128x1024xf32> to vector<1xf32>
    %reduce_sum3A_41 = vector.shape_cast %reduce_sum3A_40 : vector<1xf32> to vector<1x1x1xf32>
    %reduce_sum3A_42 = vector.extract %reduce_sum3A_41[0, 0, 0] : f32 from vector<1x1x1xf32>
    %add3A_43 = arith.constant 1 : i32
    %add3A_44 = arith.addi %scan3A_20#1, %add3A_43 : i32
    %sub3A_45 = vector.broadcast %add3A_44 : i32 to vector<128x1024xi32>
    %sub3A_46 = arith.subi %get3A_23, %sub3A_45 : vector<128x1024xi32>
    %shift_right_logical3A_47 = arith.constant 31 : i32
    %shift_right_logical3A_48 = vector.broadcast %shift_right_logical3A_47 : i32 to vector<128x1024xi32>
    %shift_right_logical3A_49 = arith.shrui %sub3A_46, %shift_right_logical3A_48 : vector<128x1024xi32>
    %convert_element_type3A_50 = arith.sitofp %shift_right_logical3A_49 : vector<128x1024xi32> to vector<128x1024xf32>
    %mul3A_51 = arith.mulf %bitcast3A, %convert_element_type3A_50 : vector<128x1024xf32>
    %reduce_max3A = vector.shape_cast %mul3A_51 : vector<128x1024xf32> to vector<1x128x1024xf32>
    %reduce_max3A_52 = arith.constant dense<0xFF800000> : vector<1xf32>
    %reduce_max3A_53 = vector.multi_reduction <maximumf>, %reduce_max3A, %reduce_max3A_52 [1, 2] : vector<1x128x1024xf32> to vector<1xf32>
    %reduce_max3A_54 = vector.shape_cast %reduce_max3A_53 : vector<1xf32> to vector<1x1x1xf32>
    %reduce_max3A_55 = vector.extract %reduce_max3A_54[0, 0, 0] : f32 from vector<1x1x1xf32>
    %get3A_56 = arith.constant 128 : index
    %get3A_57 = arith.constant 0 : index
    %get3A_58 = vector.load %arg0[%get3A_56, %get3A_57] : memref<2048x1024xi32, #tpu.memory_space<vmem>>, vector<128x1024xi32>
    %bitcast3A_59 = tpu.bitcast %get3A_58 : vector<128x1024xi32> -> vector<128x1024xf32>
    %add3A_60 = arith.constant 1 : i32
    %add3A_61 = arith.addi %scan3A_20#0, %add3A_60 : i32
    %sub3A_62 = vector.broadcast %add3A_61 : i32 to vector<128x1024xi32>
    %sub3A_63 = arith.subi %get3A_58, %sub3A_62 : vector<128x1024xi32>
    %shift_right_logical3A_64 = arith.constant 31 : i32
    %shift_right_logical3A_65 = vector.broadcast %shift_right_logical3A_64 : i32 to vector<128x1024xi32>
    %shift_right_logical3A_66 = arith.shrui %sub3A_63, %shift_right_logical3A_65 : vector<128x1024xi32>
    %reduce_sum3A_67 = vector.shape_cast %shift_right_logical3A_66 : vector<128x1024xi32> to vector<1x128x1024xi32>
    %reduce_sum3A_68 = arith.constant dense<0> : vector<1xi32>
    %reduce_sum3A_69 = vector.multi_reduction <add>, %reduce_sum3A_67, %reduce_sum3A_68 [1, 2] : vector<1x128x1024xi32> to vector<1xi32>
    %reduce_sum3A_70 = vector.shape_cast %reduce_sum3A_69 : vector<1xi32> to vector<1x1x1xi32>
    %reduce_sum3A_71 = vector.extract %reduce_sum3A_70[0, 0, 0] : i32 from vector<1x1x1xi32>
    %sub3A_72 = arith.constant 1 : i32
    %sub3A_73 = vector.broadcast %sub3A_72 : i32 to vector<128x1024xi32>
    %sub3A_74 = arith.subi %sub3A_73, %shift_right_logical3A_66 : vector<128x1024xi32>
    %convert_element_type3A_75 = arith.sitofp %sub3A_74 : vector<128x1024xi32> to vector<128x1024xf32>
    %mul3A_76 = arith.mulf %bitcast3A_59, %convert_element_type3A_75 : vector<128x1024xf32>
    %reduce_sum3A_77 = vector.shape_cast %mul3A_76 : vector<128x1024xf32> to vector<1x128x1024xf32>
    %reduce_sum3A_78 = arith.constant dense<0.000000e+00> : vector<1xf32>
    %reduce_sum3A_79 = vector.multi_reduction <add>, %reduce_sum3A_77, %reduce_sum3A_78 [1, 2] : vector<1x128x1024xf32> to vector<1xf32>
    %reduce_sum3A_80 = vector.shape_cast %reduce_sum3A_79 : vector<1xf32> to vector<1x1x1xf32>
    %reduce_sum3A_81 = vector.extract %reduce_sum3A_80[0, 0, 0] : f32 from vector<1x1x1xf32>
    %add3A_82 = arith.constant 1 : i32
    %add3A_83 = arith.addi %scan3A_20#1, %add3A_82 : i32
    %sub3A_84 = vector.broadcast %add3A_83 : i32 to vector<128x1024xi32>
    %sub3A_85 = arith.subi %get3A_58, %sub3A_84 : vector<128x1024xi32>
    %shift_right_logical3A_86 = arith.constant 31 : i32
    %shift_right_logical3A_87 = vector.broadcast %shift_right_logical3A_86 : i32 to vector<128x1024xi32>
    %shift_right_logical3A_88 = arith.shrui %sub3A_85, %shift_right_logical3A_87 : vector<128x1024xi32>
    %convert_element_type3A_89 = arith.sitofp %shift_right_logical3A_88 : vector<128x1024xi32> to vector<128x1024xf32>
    %mul3A_90 = arith.mulf %bitcast3A_59, %convert_element_type3A_89 : vector<128x1024xf32>
    %reduce_max3A_91 = vector.shape_cast %mul3A_90 : vector<128x1024xf32> to vector<1x128x1024xf32>
    %reduce_max3A_92 = arith.constant dense<0xFF800000> : vector<1xf32>
    %reduce_max3A_93 = vector.multi_reduction <maximumf>, %reduce_max3A_91, %reduce_max3A_92 [1, 2] : vector<1x128x1024xf32> to vector<1xf32>
    %reduce_max3A_94 = vector.shape_cast %reduce_max3A_93 : vector<1xf32> to vector<1x1x1xf32>
    %reduce_max3A_95 = vector.extract %reduce_max3A_94[0, 0, 0] : f32 from vector<1x1x1xf32>
    %get3A_96 = arith.constant 256 : index
    %get3A_97 = arith.constant 0 : index
    %get3A_98 = vector.load %arg0[%get3A_96, %get3A_97] : memref<2048x1024xi32, #tpu.memory_space<vmem>>, vector<128x1024xi32>
    %bitcast3A_99 = tpu.bitcast %get3A_98 : vector<128x1024xi32> -> vector<128x1024xf32>
    %add3A_100 = arith.constant 1 : i32
    %add3A_101 = arith.addi %scan3A_20#0, %add3A_100 : i32
    %sub3A_102 = vector.broadcast %add3A_101 : i32 to vector<128x1024xi32>
    %sub3A_103 = arith.subi %get3A_98, %sub3A_102 : vector<128x1024xi32>
    %shift_right_logical3A_104 = arith.constant 31 : i32
    %shift_right_logical3A_105 = vector.broadcast %shift_right_logical3A_104 : i32 to vector<128x1024xi32>
    %shift_right_logical3A_106 = arith.shrui %sub3A_103, %shift_right_logical3A_105 : vector<128x1024xi32>
    %reduce_sum3A_107 = vector.shape_cast %shift_right_logical3A_106 : vector<128x1024xi32> to vector<1x128x1024xi32>
    %reduce_sum3A_108 = arith.constant dense<0> : vector<1xi32>
    %reduce_sum3A_109 = vector.multi_reduction <add>, %reduce_sum3A_107, %reduce_sum3A_108 [1, 2] : vector<1x128x1024xi32> to vector<1xi32>
    %reduce_sum3A_110 = vector.shape_cast %reduce_sum3A_109 : vector<1xi32> to vector<1x1x1xi32>
    %reduce_sum3A_111 = vector.extract %reduce_sum3A_110[0, 0, 0] : i32 from vector<1x1x1xi32>
    %sub3A_112 = arith.constant 1 : i32
    %sub3A_113 = vector.broadcast %sub3A_112 : i32 to vector<128x1024xi32>
    %sub3A_114 = arith.subi %sub3A_113, %shift_right_logical3A_106 : vector<128x1024xi32>
    %convert_element_type3A_115 = arith.sitofp %sub3A_114 : vector<128x1024xi32> to vector<128x1024xf32>
    %mul3A_116 = arith.mulf %bitcast3A_99, %convert_element_type3A_115 : vector<128x1024xf32>
    %reduce_sum3A_117 = vector.shape_cast %mul3A_116 : vector<128x1024xf32> to vector<1x128x1024xf32>
    %reduce_sum3A_118 = arith.constant dense<0.000000e+00> : vector<1xf32>
    %reduce_sum3A_119 = vector.multi_reduction <add>, %reduce_sum3A_117, %reduce_sum3A_118 [1, 2] : vector<1x128x1024xf32> to vector<1xf32>
    %reduce_sum3A_120 = vector.shape_cast %reduce_sum3A_119 : vector<1xf32> to vector<1x1x1xf32>
    %reduce_sum3A_121 = vector.extract %reduce_sum3A_120[0, 0, 0] : f32 from vector<1x1x1xf32>
    %add3A_122 = arith.constant 1 : i32
    %add3A_123 = arith.addi %scan3A_20#1, %add3A_122 : i32
    %sub3A_124 = vector.broadcast %add3A_123 : i32 to vector<128x1024xi32>
    %sub3A_125 = arith.subi %get3A_98, %sub3A_124 : vector<128x1024xi32>
    %shift_right_logical3A_126 = arith.constant 31 : i32
    %shift_right_logical3A_127 = vector.broadcast %shift_right_logical3A_126 : i32 to vector<128x1024xi32>
    %shift_right_logical3A_128 = arith.shrui %sub3A_125, %shift_right_logical3A_127 : vector<128x1024xi32>
    %convert_element_type3A_129 = arith.sitofp %shift_right_logical3A_128 : vector<128x1024xi32> to vector<128x1024xf32>
    %mul3A_130 = arith.mulf %bitcast3A_99, %convert_element_type3A_129 : vector<128x1024xf32>
    %reduce_max3A_131 = vector.shape_cast %mul3A_130 : vector<128x1024xf32> to vector<1x128x1024xf32>
    %reduce_max3A_132 = arith.constant dense<0xFF800000> : vector<1xf32>
    %reduce_max3A_133 = vector.multi_reduction <maximumf>, %reduce_max3A_131, %reduce_max3A_132 [1, 2] : vector<1x128x1024xf32> to vector<1xf32>
    %reduce_max3A_134 = vector.shape_cast %reduce_max3A_133 : vector<1xf32> to vector<1x1x1xf32>
    %reduce_max3A_135 = vector.extract %reduce_max3A_134[0, 0, 0] : f32 from vector<1x1x1xf32>
    %get3A_136 = arith.constant 384 : index
    %get3A_137 = arith.constant 0 : index
    %get3A_138 = vector.load %arg0[%get3A_136, %get3A_137] : memref<2048x1024xi32, #tpu.memory_space<vmem>>, vector<128x1024xi32>
    %bitcast3A_139 = tpu.bitcast %get3A_138 : vector<128x1024xi32> -> vector<128x1024xf32>
    %add3A_140 = arith.constant 1 : i32
    %add3A_141 = arith.addi %scan3A_20#0, %add3A_140 : i32
    %sub3A_142 = vector.broadcast %add3A_141 : i32 to vector<128x1024xi32>
    %sub3A_143 = arith.subi %get3A_138, %sub3A_142 : vector<128x1024xi32>
    %shift_right_logical3A_144 = arith.constant 31 : i32
    %shift_right_logical3A_145 = vector.broadcast %shift_right_logical3A_144 : i32 to vector<128x1024xi32>
    %shift_right_logical3A_146 = arith.shrui %sub3A_143, %shift_right_logical3A_145 : vector<128x1024xi32>
    %reduce_sum3A_147 = vector.shape_cast %shift_right_logical3A_146 : vector<128x1024xi32> to vector<1x128x1024xi32>
    %reduce_sum3A_148 = arith.constant dense<0> : vector<1xi32>
    %reduce_sum3A_149 = vector.multi_reduction <add>, %reduce_sum3A_147, %reduce_sum3A_148 [1, 2] : vector<1x128x1024xi32> to vector<1xi32>
    %reduce_sum3A_150 = vector.shape_cast %reduce_sum3A_149 : vector<1xi32> to vector<1x1x1xi32>
    %reduce_sum3A_151 = vector.extract %reduce_sum3A_150[0, 0, 0] : i32 from vector<1x1x1xi32>
    %sub3A_152 = arith.constant 1 : i32
    %sub3A_153 = vector.broadcast %sub3A_152 : i32 to vector<128x1024xi32>
    %sub3A_154 = arith.subi %sub3A_153, %shift_right_logical3A_146 : vector<128x1024xi32>
    %convert_element_type3A_155 = arith.sitofp %sub3A_154 : vector<128x1024xi32> to vector<128x1024xf32>
    %mul3A_156 = arith.mulf %bitcast3A_139, %convert_element_type3A_155 : vector<128x1024xf32>
    %reduce_sum3A_157 = vector.shape_cast %mul3A_156 : vector<128x1024xf32> to vector<1x128x1024xf32>
    %reduce_sum3A_158 = arith.constant dense<0.000000e+00> : vector<1xf32>
    %reduce_sum3A_159 = vector.multi_reduction <add>, %reduce_sum3A_157, %reduce_sum3A_158 [1, 2] : vector<1x128x1024xf32> to vector<1xf32>
    %reduce_sum3A_160 = vector.shape_cast %reduce_sum3A_159 : vector<1xf32> to vector<1x1x1xf32>
    %reduce_sum3A_161 = vector.extract %reduce_sum3A_160[0, 0, 0] : f32 from vector<1x1x1xf32>
    %add3A_162 = arith.constant 1 : i32
    %add3A_163 = arith.addi %scan3A_20#1, %add3A_162 : i32
    %sub3A_164 = vector.broadcast %add3A_163 : i32 to vector<128x1024xi32>
    %sub3A_165 = arith.subi %get3A_138, %sub3A_164 : vector<128x1024xi32>
    %shift_right_logical3A_166 = arith.constant 31 : i32
    %shift_right_logical3A_167 = vector.broadcast %shift_right_logical3A_166 : i32 to vector<128x1024xi32>
    %shift_right_logical3A_168 = arith.shrui %sub3A_165, %shift_right_logical3A_167 : vector<128x1024xi32>
    %convert_element_type3A_169 = arith.sitofp %shift_right_logical3A_168 : vector<128x1024xi32> to vector<128x1024xf32>
    %mul3A_170 = arith.mulf %bitcast3A_139, %convert_element_type3A_169 : vector<128x1024xf32>
    %reduce_max3A_171 = vector.shape_cast %mul3A_170 : vector<128x1024xf32> to vector<1x128x1024xf32>
    %reduce_max3A_172 = arith.constant dense<0xFF800000> : vector<1xf32>
    %reduce_max3A_173 = vector.multi_reduction <maximumf>, %reduce_max3A_171, %reduce_max3A_172 [1, 2] : vector<1x128x1024xf32> to vector<1xf32>
    %reduce_max3A_174 = vector.shape_cast %reduce_max3A_173 : vector<1xf32> to vector<1x1x1xf32>
    %reduce_max3A_175 = vector.extract %reduce_max3A_174[0, 0, 0] : f32 from vector<1x1x1xf32>
    %get3A_176 = arith.constant 512 : index
    %get3A_177 = arith.constant 0 : index
    %get3A_178 = vector.load %arg0[%get3A_176, %get3A_177] : memref<2048x1024xi32, #tpu.memory_space<vmem>>, vector<128x1024xi32>
    %bitcast3A_179 = tpu.bitcast %get3A_178 : vector<128x1024xi32> -> vector<128x1024xf32>
    %add3A_180 = arith.constant 1 : i32
    %add3A_181 = arith.addi %scan3A_20#0, %add3A_180 : i32
    %sub3A_182 = vector.broadcast %add3A_181 : i32 to vector<128x1024xi32>
    %sub3A_183 = arith.subi %get3A_178, %sub3A_182 : vector<128x1024xi32>
    %shift_right_logical3A_184 = arith.constant 31 : i32
    %shift_right_logical3A_185 = vector.broadcast %shift_right_logical3A_184 : i32 to vector<128x1024xi32>
    %shift_right_logical3A_186 = arith.shrui %sub3A_183, %shift_right_logical3A_185 : vector<128x1024xi32>
    %reduce_sum3A_187 = vector.shape_cast %shift_right_logical3A_186 : vector<128x1024xi32> to vector<1x128x1024xi32>
    %reduce_sum3A_188 = arith.constant dense<0> : vector<1xi32>
    %reduce_sum3A_189 = vector.multi_reduction <add>, %reduce_sum3A_187, %reduce_sum3A_188 [1, 2] : vector<1x128x1024xi32> to vector<1xi32>
    %reduce_sum3A_190 = vector.shape_cast %reduce_sum3A_189 : vector<1xi32> to vector<1x1x1xi32>
    %reduce_sum3A_191 = vector.extract %reduce_sum3A_190[0, 0, 0] : i32 from vector<1x1x1xi32>
    %sub3A_192 = arith.constant 1 : i32
    %sub3A_193 = vector.broadcast %sub3A_192 : i32 to vector<128x1024xi32>
    %sub3A_194 = arith.subi %sub3A_193, %shift_right_logical3A_186 : vector<128x1024xi32>
    %convert_element_type3A_195 = arith.sitofp %sub3A_194 : vector<128x1024xi32> to vector<128x1024xf32>
    %mul3A_196 = arith.mulf %bitcast3A_179, %convert_element_type3A_195 : vector<128x1024xf32>
    %reduce_sum3A_197 = vector.shape_cast %mul3A_196 : vector<128x1024xf32> to vector<1x128x1024xf32>
    %reduce_sum3A_198 = arith.constant dense<0.000000e+00> : vector<1xf32>
    %reduce_sum3A_199 = vector.multi_reduction <add>, %reduce_sum3A_197, %reduce_sum3A_198 [1, 2] : vector<1x128x1024xf32> to vector<1xf32>
    %reduce_sum3A_200 = vector.shape_cast %reduce_sum3A_199 : vector<1xf32> to vector<1x1x1xf32>
    %reduce_sum3A_201 = vector.extract %reduce_sum3A_200[0, 0, 0] : f32 from vector<1x1x1xf32>
    %add3A_202 = arith.constant 1 : i32
    %add3A_203 = arith.addi %scan3A_20#1, %add3A_202 : i32
    %sub3A_204 = vector.broadcast %add3A_203 : i32 to vector<128x1024xi32>
    %sub3A_205 = arith.subi %get3A_178, %sub3A_204 : vector<128x1024xi32>
    %shift_right_logical3A_206 = arith.constant 31 : i32
    %shift_right_logical3A_207 = vector.broadcast %shift_right_logical3A_206 : i32 to vector<128x1024xi32>
    %shift_right_logical3A_208 = arith.shrui %sub3A_205, %shift_right_logical3A_207 : vector<128x1024xi32>
    %convert_element_type3A_209 = arith.sitofp %shift_right_logical3A_208 : vector<128x1024xi32> to vector<128x1024xf32>
    %mul3A_210 = arith.mulf %bitcast3A_179, %convert_element_type3A_209 : vector<128x1024xf32>
    %reduce_max3A_211 = vector.shape_cast %mul3A_210 : vector<128x1024xf32> to vector<1x128x1024xf32>
    %reduce_max3A_212 = arith.constant dense<0xFF800000> : vector<1xf32>
    %reduce_max3A_213 = vector.multi_reduction <maximumf>, %reduce_max3A_211, %reduce_max3A_212 [1, 2] : vector<1x128x1024xf32> to vector<1xf32>
    %reduce_max3A_214 = vector.shape_cast %reduce_max3A_213 : vector<1xf32> to vector<1x1x1xf32>
    %reduce_max3A_215 = vector.extract %reduce_max3A_214[0, 0, 0] : f32 from vector<1x1x1xf32>
    %get3A_216 = arith.constant 640 : index
    %get3A_217 = arith.constant 0 : index
    %get3A_218 = vector.load %arg0[%get3A_216, %get3A_217] : memref<2048x1024xi32, #tpu.memory_space<vmem>>, vector<128x1024xi32>
    %bitcast3A_219 = tpu.bitcast %get3A_218 : vector<128x1024xi32> -> vector<128x1024xf32>
    %add3A_220 = arith.constant 1 : i32
    %add3A_221 = arith.addi %scan3A_20#0, %add3A_220 : i32
    %sub3A_222 = vector.broadcast %add3A_221 : i32 to vector<128x1024xi32>
    %sub3A_223 = arith.subi %get3A_218, %sub3A_222 : vector<128x1024xi32>
    %shift_right_logical3A_224 = arith.constant 31 : i32
    %shift_right_logical3A_225 = vector.broadcast %shift_right_logical3A_224 : i32 to vector<128x1024xi32>
    %shift_right_logical3A_226 = arith.shrui %sub3A_223, %shift_right_logical3A_225 : vector<128x1024xi32>
    %reduce_sum3A_227 = vector.shape_cast %shift_right_logical3A_226 : vector<128x1024xi32> to vector<1x128x1024xi32>
    %reduce_sum3A_228 = arith.constant dense<0> : vector<1xi32>
    %reduce_sum3A_229 = vector.multi_reduction <add>, %reduce_sum3A_227, %reduce_sum3A_228 [1, 2] : vector<1x128x1024xi32> to vector<1xi32>
    %reduce_sum3A_230 = vector.shape_cast %reduce_sum3A_229 : vector<1xi32> to vector<1x1x1xi32>
    %reduce_sum3A_231 = vector.extract %reduce_sum3A_230[0, 0, 0] : i32 from vector<1x1x1xi32>
    %sub3A_232 = arith.constant 1 : i32
    %sub3A_233 = vector.broadcast %sub3A_232 : i32 to vector<128x1024xi32>
    %sub3A_234 = arith.subi %sub3A_233, %shift_right_logical3A_226 : vector<128x1024xi32>
    %convert_element_type3A_235 = arith.sitofp %sub3A_234 : vector<128x1024xi32> to vector<128x1024xf32>
    %mul3A_236 = arith.mulf %bitcast3A_219, %convert_element_type3A_235 : vector<128x1024xf32>
    %reduce_sum3A_237 = vector.shape_cast %mul3A_236 : vector<128x1024xf32> to vector<1x128x1024xf32>
    %reduce_sum3A_238 = arith.constant dense<0.000000e+00> : vector<1xf32>
    %reduce_sum3A_239 = vector.multi_reduction <add>, %reduce_sum3A_237, %reduce_sum3A_238 [1, 2] : vector<1x128x1024xf32> to vector<1xf32>
    %reduce_sum3A_240 = vector.shape_cast %reduce_sum3A_239 : vector<1xf32> to vector<1x1x1xf32>
    %reduce_sum3A_241 = vector.extract %reduce_sum3A_240[0, 0, 0] : f32 from vector<1x1x1xf32>
    %add3A_242 = arith.constant 1 : i32
    %add3A_243 = arith.addi %scan3A_20#1, %add3A_242 : i32
    %sub3A_244 = vector.broadcast %add3A_243 : i32 to vector<128x1024xi32>
    %sub3A_245 = arith.subi %get3A_218, %sub3A_244 : vector<128x1024xi32>
    %shift_right_logical3A_246 = arith.constant 31 : i32
    %shift_right_logical3A_247 = vector.broadcast %shift_right_logical3A_246 : i32 to vector<128x1024xi32>
    %shift_right_logical3A_248 = arith.shrui %sub3A_245, %shift_right_logical3A_247 : vector<128x1024xi32>
    %convert_element_type3A_249 = arith.sitofp %shift_right_logical3A_248 : vector<128x1024xi32> to vector<128x1024xf32>
    %mul3A_250 = arith.mulf %bitcast3A_219, %convert_element_type3A_249 : vector<128x1024xf32>
    %reduce_max3A_251 = vector.shape_cast %mul3A_250 : vector<128x1024xf32> to vector<1x128x1024xf32>
    %reduce_max3A_252 = arith.constant dense<0xFF800000> : vector<1xf32>
    %reduce_max3A_253 = vector.multi_reduction <maximumf>, %reduce_max3A_251, %reduce_max3A_252 [1, 2] : vector<1x128x1024xf32> to vector<1xf32>
    %reduce_max3A_254 = vector.shape_cast %reduce_max3A_253 : vector<1xf32> to vector<1x1x1xf32>
    %reduce_max3A_255 = vector.extract %reduce_max3A_254[0, 0, 0] : f32 from vector<1x1x1xf32>
    %get3A_256 = arith.constant 768 : index
    %get3A_257 = arith.constant 0 : index
    %get3A_258 = vector.load %arg0[%get3A_256, %get3A_257] : memref<2048x1024xi32, #tpu.memory_space<vmem>>, vector<128x1024xi32>
    %bitcast3A_259 = tpu.bitcast %get3A_258 : vector<128x1024xi32> -> vector<128x1024xf32>
    %add3A_260 = arith.constant 1 : i32
    %add3A_261 = arith.addi %scan3A_20#0, %add3A_260 : i32
    %sub3A_262 = vector.broadcast %add3A_261 : i32 to vector<128x1024xi32>
    %sub3A_263 = arith.subi %get3A_258, %sub3A_262 : vector<128x1024xi32>
    %shift_right_logical3A_264 = arith.constant 31 : i32
    %shift_right_logical3A_265 = vector.broadcast %shift_right_logical3A_264 : i32 to vector<128x1024xi32>
    %shift_right_logical3A_266 = arith.shrui %sub3A_263, %shift_right_logical3A_265 : vector<128x1024xi32>
    %reduce_sum3A_267 = vector.shape_cast %shift_right_logical3A_266 : vector<128x1024xi32> to vector<1x128x1024xi32>
    %reduce_sum3A_268 = arith.constant dense<0> : vector<1xi32>
    %reduce_sum3A_269 = vector.multi_reduction <add>, %reduce_sum3A_267, %reduce_sum3A_268 [1, 2] : vector<1x128x1024xi32> to vector<1xi32>
    %reduce_sum3A_270 = vector.shape_cast %reduce_sum3A_269 : vector<1xi32> to vector<1x1x1xi32>
    %reduce_sum3A_271 = vector.extract %reduce_sum3A_270[0, 0, 0] : i32 from vector<1x1x1xi32>
    %sub3A_272 = arith.constant 1 : i32
    %sub3A_273 = vector.broadcast %sub3A_272 : i32 to vector<128x1024xi32>
    %sub3A_274 = arith.subi %sub3A_273, %shift_right_logical3A_266 : vector<128x1024xi32>
    %convert_element_type3A_275 = arith.sitofp %sub3A_274 : vector<128x1024xi32> to vector<128x1024xf32>
    %mul3A_276 = arith.mulf %bitcast3A_259, %convert_element_type3A_275 : vector<128x1024xf32>
    %reduce_sum3A_277 = vector.shape_cast %mul3A_276 : vector<128x1024xf32> to vector<1x128x1024xf32>
    %reduce_sum3A_278 = arith.constant dense<0.000000e+00> : vector<1xf32>
    %reduce_sum3A_279 = vector.multi_reduction <add>, %reduce_sum3A_277, %reduce_sum3A_278 [1, 2] : vector<1x128x1024xf32> to vector<1xf32>
    %reduce_sum3A_280 = vector.shape_cast %reduce_sum3A_279 : vector<1xf32> to vector<1x1x1xf32>
    %reduce_sum3A_281 = vector.extract %reduce_sum3A_280[0, 0, 0] : f32 from vector<1x1x1xf32>
    %add3A_282 = arith.constant 1 : i32
    %add3A_283 = arith.addi %scan3A_20#1, %add3A_282 : i32
    %sub3A_284 = vector.broadcast %add3A_283 : i32 to vector<128x1024xi32>
    %sub3A_285 = arith.subi %get3A_258, %sub3A_284 : vector<128x1024xi32>
    %shift_right_logical3A_286 = arith.constant 31 : i32
    %shift_right_logical3A_287 = vector.broadcast %shift_right_logical3A_286 : i32 to vector<128x1024xi32>
    %shift_right_logical3A_288 = arith.shrui %sub3A_285, %shift_right_logical3A_287 : vector<128x1024xi32>
    %convert_element_type3A_289 = arith.sitofp %shift_right_logical3A_288 : vector<128x1024xi32> to vector<128x1024xf32>
    %mul3A_290 = arith.mulf %bitcast3A_259, %convert_element_type3A_289 : vector<128x1024xf32>
    %reduce_max3A_291 = vector.shape_cast %mul3A_290 : vector<128x1024xf32> to vector<1x128x1024xf32>
    %reduce_max3A_292 = arith.constant dense<0xFF800000> : vector<1xf32>
    %reduce_max3A_293 = vector.multi_reduction <maximumf>, %reduce_max3A_291, %reduce_max3A_292 [1, 2] : vector<1x128x1024xf32> to vector<1xf32>
    %reduce_max3A_294 = vector.shape_cast %reduce_max3A_293 : vector<1xf32> to vector<1x1x1xf32>
    %reduce_max3A_295 = vector.extract %reduce_max3A_294[0, 0, 0] : f32 from vector<1x1x1xf32>
    %get3A_296 = arith.constant 896 : index
    %get3A_297 = arith.constant 0 : index
    %get3A_298 = vector.load %arg0[%get3A_296, %get3A_297] : memref<2048x1024xi32, #tpu.memory_space<vmem>>, vector<128x1024xi32>
    %bitcast3A_299 = tpu.bitcast %get3A_298 : vector<128x1024xi32> -> vector<128x1024xf32>
    %add3A_300 = arith.constant 1 : i32
    %add3A_301 = arith.addi %scan3A_20#0, %add3A_300 : i32
    %sub3A_302 = vector.broadcast %add3A_301 : i32 to vector<128x1024xi32>
    %sub3A_303 = arith.subi %get3A_298, %sub3A_302 : vector<128x1024xi32>
    %shift_right_logical3A_304 = arith.constant 31 : i32
    %shift_right_logical3A_305 = vector.broadcast %shift_right_logical3A_304 : i32 to vector<128x1024xi32>
    %shift_right_logical3A_306 = arith.shrui %sub3A_303, %shift_right_logical3A_305 : vector<128x1024xi32>
    %reduce_sum3A_307 = vector.shape_cast %shift_right_logical3A_306 : vector<128x1024xi32> to vector<1x128x1024xi32>
    %reduce_sum3A_308 = arith.constant dense<0> : vector<1xi32>
    %reduce_sum3A_309 = vector.multi_reduction <add>, %reduce_sum3A_307, %reduce_sum3A_308 [1, 2] : vector<1x128x1024xi32> to vector<1xi32>
    %reduce_sum3A_310 = vector.shape_cast %reduce_sum3A_309 : vector<1xi32> to vector<1x1x1xi32>
    %reduce_sum3A_311 = vector.extract %reduce_sum3A_310[0, 0, 0] : i32 from vector<1x1x1xi32>
    %sub3A_312 = arith.constant 1 : i32
    %sub3A_313 = vector.broadcast %sub3A_312 : i32 to vector<128x1024xi32>
    %sub3A_314 = arith.subi %sub3A_313, %shift_right_logical3A_306 : vector<128x1024xi32>
    %convert_element_type3A_315 = arith.sitofp %sub3A_314 : vector<128x1024xi32> to vector<128x1024xf32>
    %mul3A_316 = arith.mulf %bitcast3A_299, %convert_element_type3A_315 : vector<128x1024xf32>
    %reduce_sum3A_317 = vector.shape_cast %mul3A_316 : vector<128x1024xf32> to vector<1x128x1024xf32>
    %reduce_sum3A_318 = arith.constant dense<0.000000e+00> : vector<1xf32>
    %reduce_sum3A_319 = vector.multi_reduction <add>, %reduce_sum3A_317, %reduce_sum3A_318 [1, 2] : vector<1x128x1024xf32> to vector<1xf32>
    %reduce_sum3A_320 = vector.shape_cast %reduce_sum3A_319 : vector<1xf32> to vector<1x1x1xf32>
    %reduce_sum3A_321 = vector.extract %reduce_sum3A_320[0, 0, 0] : f32 from vector<1x1x1xf32>
    %add3A_322 = arith.constant 1 : i32
    %add3A_323 = arith.addi %scan3A_20#1, %add3A_322 : i32
    %sub3A_324 = vector.broadcast %add3A_323 : i32 to vector<128x1024xi32>
    %sub3A_325 = arith.subi %get3A_298, %sub3A_324 : vector<128x1024xi32>
    %shift_right_logical3A_326 = arith.constant 31 : i32
    %shift_right_logical3A_327 = vector.broadcast %shift_right_logical3A_326 : i32 to vector<128x1024xi32>
    %shift_right_logical3A_328 = arith.shrui %sub3A_325, %shift_right_logical3A_327 : vector<128x1024xi32>
    %convert_element_type3A_329 = arith.sitofp %shift_right_logical3A_328 : vector<128x1024xi32> to vector<128x1024xf32>
    %mul3A_330 = arith.mulf %bitcast3A_299, %convert_element_type3A_329 : vector<128x1024xf32>
    %reduce_max3A_331 = vector.shape_cast %mul3A_330 : vector<128x1024xf32> to vector<1x128x1024xf32>
    %reduce_max3A_332 = arith.constant dense<0xFF800000> : vector<1xf32>
    %reduce_max3A_333 = vector.multi_reduction <maximumf>, %reduce_max3A_331, %reduce_max3A_332 [1, 2] : vector<1x128x1024xf32> to vector<1xf32>
    %reduce_max3A_334 = vector.shape_cast %reduce_max3A_333 : vector<1xf32> to vector<1x1x1xf32>
    %reduce_max3A_335 = vector.extract %reduce_max3A_334[0, 0, 0] : f32 from vector<1x1x1xf32>
    %get3A_336 = arith.constant 1024 : index
    %get3A_337 = arith.constant 0 : index
    %get3A_338 = vector.load %arg0[%get3A_336, %get3A_337] : memref<2048x1024xi32, #tpu.memory_space<vmem>>, vector<128x1024xi32>
    %bitcast3A_339 = tpu.bitcast %get3A_338 : vector<128x1024xi32> -> vector<128x1024xf32>
    %add3A_340 = arith.constant 1 : i32
    %add3A_341 = arith.addi %scan3A_20#0, %add3A_340 : i32
    %sub3A_342 = vector.broadcast %add3A_341 : i32 to vector<128x1024xi32>
    %sub3A_343 = arith.subi %get3A_338, %sub3A_342 : vector<128x1024xi32>
    %shift_right_logical3A_344 = arith.constant 31 : i32
    %shift_right_logical3A_345 = vector.broadcast %shift_right_logical3A_344 : i32 to vector<128x1024xi32>
    %shift_right_logical3A_346 = arith.shrui %sub3A_343, %shift_right_logical3A_345 : vector<128x1024xi32>
    %reduce_sum3A_347 = vector.shape_cast %shift_right_logical3A_346 : vector<128x1024xi32> to vector<1x128x1024xi32>
    %reduce_sum3A_348 = arith.constant dense<0> : vector<1xi32>
    %reduce_sum3A_349 = vector.multi_reduction <add>, %reduce_sum3A_347, %reduce_sum3A_348 [1, 2] : vector<1x128x1024xi32> to vector<1xi32>
    %reduce_sum3A_350 = vector.shape_cast %reduce_sum3A_349 : vector<1xi32> to vector<1x1x1xi32>
    %reduce_sum3A_351 = vector.extract %reduce_sum3A_350[0, 0, 0] : i32 from vector<1x1x1xi32>
    %sub3A_352 = arith.constant 1 : i32
    %sub3A_353 = vector.broadcast %sub3A_352 : i32 to vector<128x1024xi32>
    %sub3A_354 = arith.subi %sub3A_353, %shift_right_logical3A_346 : vector<128x1024xi32>
    %convert_element_type3A_355 = arith.sitofp %sub3A_354 : vector<128x1024xi32> to vector<128x1024xf32>
    %mul3A_356 = arith.mulf %bitcast3A_339, %convert_element_type3A_355 : vector<128x1024xf32>
    %reduce_sum3A_357 = vector.shape_cast %mul3A_356 : vector<128x1024xf32> to vector<1x128x1024xf32>
    %reduce_sum3A_358 = arith.constant dense<0.000000e+00> : vector<1xf32>
    %reduce_sum3A_359 = vector.multi_reduction <add>, %reduce_sum3A_357, %reduce_sum3A_358 [1, 2] : vector<1x128x1024xf32> to vector<1xf32>
    %reduce_sum3A_360 = vector.shape_cast %reduce_sum3A_359 : vector<1xf32> to vector<1x1x1xf32>
    %reduce_sum3A_361 = vector.extract %reduce_sum3A_360[0, 0, 0] : f32 from vector<1x1x1xf32>
    %add3A_362 = arith.constant 1 : i32
    %add3A_363 = arith.addi %scan3A_20#1, %add3A_362 : i32
    %sub3A_364 = vector.broadcast %add3A_363 : i32 to vector<128x1024xi32>
    %sub3A_365 = arith.subi %get3A_338, %sub3A_364 : vector<128x1024xi32>
    %shift_right_logical3A_366 = arith.constant 31 : i32
    %shift_right_logical3A_367 = vector.broadcast %shift_right_logical3A_366 : i32 to vector<128x1024xi32>
    %shift_right_logical3A_368 = arith.shrui %sub3A_365, %shift_right_logical3A_367 : vector<128x1024xi32>
    %convert_element_type3A_369 = arith.sitofp %shift_right_logical3A_368 : vector<128x1024xi32> to vector<128x1024xf32>
    %mul3A_370 = arith.mulf %bitcast3A_339, %convert_element_type3A_369 : vector<128x1024xf32>
    %reduce_max3A_371 = vector.shape_cast %mul3A_370 : vector<128x1024xf32> to vector<1x128x1024xf32>
    %reduce_max3A_372 = arith.constant dense<0xFF800000> : vector<1xf32>
    %reduce_max3A_373 = vector.multi_reduction <maximumf>, %reduce_max3A_371, %reduce_max3A_372 [1, 2] : vector<1x128x1024xf32> to vector<1xf32>
    %reduce_max3A_374 = vector.shape_cast %reduce_max3A_373 : vector<1xf32> to vector<1x1x1xf32>
    %reduce_max3A_375 = vector.extract %reduce_max3A_374[0, 0, 0] : f32 from vector<1x1x1xf32>
    %get3A_376 = arith.constant 1152 : index
    %get3A_377 = arith.constant 0 : index
    %get3A_378 = vector.load %arg0[%get3A_376, %get3A_377] : memref<2048x1024xi32, #tpu.memory_space<vmem>>, vector<128x1024xi32>
    %bitcast3A_379 = tpu.bitcast %get3A_378 : vector<128x1024xi32> -> vector<128x1024xf32>
    %add3A_380 = arith.constant 1 : i32
    %add3A_381 = arith.addi %scan3A_20#0, %add3A_380 : i32
    %sub3A_382 = vector.broadcast %add3A_381 : i32 to vector<128x1024xi32>
    %sub3A_383 = arith.subi %get3A_378, %sub3A_382 : vector<128x1024xi32>
    %shift_right_logical3A_384 = arith.constant 31 : i32
    %shift_right_logical3A_385 = vector.broadcast %shift_right_logical3A_384 : i32 to vector<128x1024xi32>
    %shift_right_logical3A_386 = arith.shrui %sub3A_383, %shift_right_logical3A_385 : vector<128x1024xi32>
    %reduce_sum3A_387 = vector.shape_cast %shift_right_logical3A_386 : vector<128x1024xi32> to vector<1x128x1024xi32>
    %reduce_sum3A_388 = arith.constant dense<0> : vector<1xi32>
    %reduce_sum3A_389 = vector.multi_reduction <add>, %reduce_sum3A_387, %reduce_sum3A_388 [1, 2] : vector<1x128x1024xi32> to vector<1xi32>
    %reduce_sum3A_390 = vector.shape_cast %reduce_sum3A_389 : vector<1xi32> to vector<1x1x1xi32>
    %reduce_sum3A_391 = vector.extract %reduce_sum3A_390[0, 0, 0] : i32 from vector<1x1x1xi32>
    %sub3A_392 = arith.constant 1 : i32
    %sub3A_393 = vector.broadcast %sub3A_392 : i32 to vector<128x1024xi32>
    %sub3A_394 = arith.subi %sub3A_393, %shift_right_logical3A_386 : vector<128x1024xi32>
    %convert_element_type3A_395 = arith.sitofp %sub3A_394 : vector<128x1024xi32> to vector<128x1024xf32>
    %mul3A_396 = arith.mulf %bitcast3A_379, %convert_element_type3A_395 : vector<128x1024xf32>
    %reduce_sum3A_397 = vector.shape_cast %mul3A_396 : vector<128x1024xf32> to vector<1x128x1024xf32>
    %reduce_sum3A_398 = arith.constant dense<0.000000e+00> : vector<1xf32>
    %reduce_sum3A_399 = vector.multi_reduction <add>, %reduce_sum3A_397, %reduce_sum3A_398 [1, 2] : vector<1x128x1024xf32> to vector<1xf32>
    %reduce_sum3A_400 = vector.shape_cast %reduce_sum3A_399 : vector<1xf32> to vector<1x1x1xf32>
    %reduce_sum3A_401 = vector.extract %reduce_sum3A_400[0, 0, 0] : f32 from vector<1x1x1xf32>
    %add3A_402 = arith.constant 1 : i32
    %add3A_403 = arith.addi %scan3A_20#1, %add3A_402 : i32
    %sub3A_404 = vector.broadcast %add3A_403 : i32 to vector<128x1024xi32>
    %sub3A_405 = arith.subi %get3A_378, %sub3A_404 : vector<128x1024xi32>
    %shift_right_logical3A_406 = arith.constant 31 : i32
    %shift_right_logical3A_407 = vector.broadcast %shift_right_logical3A_406 : i32 to vector<128x1024xi32>
    %shift_right_logical3A_408 = arith.shrui %sub3A_405, %shift_right_logical3A_407 : vector<128x1024xi32>
    %convert_element_type3A_409 = arith.sitofp %shift_right_logical3A_408 : vector<128x1024xi32> to vector<128x1024xf32>
    %mul3A_410 = arith.mulf %bitcast3A_379, %convert_element_type3A_409 : vector<128x1024xf32>
    %reduce_max3A_411 = vector.shape_cast %mul3A_410 : vector<128x1024xf32> to vector<1x128x1024xf32>
    %reduce_max3A_412 = arith.constant dense<0xFF800000> : vector<1xf32>
    %reduce_max3A_413 = vector.multi_reduction <maximumf>, %reduce_max3A_411, %reduce_max3A_412 [1, 2] : vector<1x128x1024xf32> to vector<1xf32>
    %reduce_max3A_414 = vector.shape_cast %reduce_max3A_413 : vector<1xf32> to vector<1x1x1xf32>
    %reduce_max3A_415 = vector.extract %reduce_max3A_414[0, 0, 0] : f32 from vector<1x1x1xf32>
    %get3A_416 = arith.constant 1280 : index
    %get3A_417 = arith.constant 0 : index
    %get3A_418 = vector.load %arg0[%get3A_416, %get3A_417] : memref<2048x1024xi32, #tpu.memory_space<vmem>>, vector<128x1024xi32>
    %bitcast3A_419 = tpu.bitcast %get3A_418 : vector<128x1024xi32> -> vector<128x1024xf32>
    %add3A_420 = arith.constant 1 : i32
    %add3A_421 = arith.addi %scan3A_20#0, %add3A_420 : i32
    %sub3A_422 = vector.broadcast %add3A_421 : i32 to vector<128x1024xi32>
    %sub3A_423 = arith.subi %get3A_418, %sub3A_422 : vector<128x1024xi32>
    %shift_right_logical3A_424 = arith.constant 31 : i32
    %shift_right_logical3A_425 = vector.broadcast %shift_right_logical3A_424 : i32 to vector<128x1024xi32>
    %shift_right_logical3A_426 = arith.shrui %sub3A_423, %shift_right_logical3A_425 : vector<128x1024xi32>
    %reduce_sum3A_427 = vector.shape_cast %shift_right_logical3A_426 : vector<128x1024xi32> to vector<1x128x1024xi32>
    %reduce_sum3A_428 = arith.constant dense<0> : vector<1xi32>
    %reduce_sum3A_429 = vector.multi_reduction <add>, %reduce_sum3A_427, %reduce_sum3A_428 [1, 2] : vector<1x128x1024xi32> to vector<1xi32>
    %reduce_sum3A_430 = vector.shape_cast %reduce_sum3A_429 : vector<1xi32> to vector<1x1x1xi32>
    %reduce_sum3A_431 = vector.extract %reduce_sum3A_430[0, 0, 0] : i32 from vector<1x1x1xi32>
    %sub3A_432 = arith.constant 1 : i32
    %sub3A_433 = vector.broadcast %sub3A_432 : i32 to vector<128x1024xi32>
    %sub3A_434 = arith.subi %sub3A_433, %shift_right_logical3A_426 : vector<128x1024xi32>
    %convert_element_type3A_435 = arith.sitofp %sub3A_434 : vector<128x1024xi32> to vector<128x1024xf32>
    %mul3A_436 = arith.mulf %bitcast3A_419, %convert_element_type3A_435 : vector<128x1024xf32>
    %reduce_sum3A_437 = vector.shape_cast %mul3A_436 : vector<128x1024xf32> to vector<1x128x1024xf32>
    %reduce_sum3A_438 = arith.constant dense<0.000000e+00> : vector<1xf32>
    %reduce_sum3A_439 = vector.multi_reduction <add>, %reduce_sum3A_437, %reduce_sum3A_438 [1, 2] : vector<1x128x1024xf32> to vector<1xf32>
    %reduce_sum3A_440 = vector.shape_cast %reduce_sum3A_439 : vector<1xf32> to vector<1x1x1xf32>
    %reduce_sum3A_441 = vector.extract %reduce_sum3A_440[0, 0, 0] : f32 from vector<1x1x1xf32>
    %add3A_442 = arith.constant 1 : i32
    %add3A_443 = arith.addi %scan3A_20#1, %add3A_442 : i32
    %sub3A_444 = vector.broadcast %add3A_443 : i32 to vector<128x1024xi32>
    %sub3A_445 = arith.subi %get3A_418, %sub3A_444 : vector<128x1024xi32>
    %shift_right_logical3A_446 = arith.constant 31 : i32
    %shift_right_logical3A_447 = vector.broadcast %shift_right_logical3A_446 : i32 to vector<128x1024xi32>
    %shift_right_logical3A_448 = arith.shrui %sub3A_445, %shift_right_logical3A_447 : vector<128x1024xi32>
    %convert_element_type3A_449 = arith.sitofp %shift_right_logical3A_448 : vector<128x1024xi32> to vector<128x1024xf32>
    %mul3A_450 = arith.mulf %bitcast3A_419, %convert_element_type3A_449 : vector<128x1024xf32>
    %reduce_max3A_451 = vector.shape_cast %mul3A_450 : vector<128x1024xf32> to vector<1x128x1024xf32>
    %reduce_max3A_452 = arith.constant dense<0xFF800000> : vector<1xf32>
    %reduce_max3A_453 = vector.multi_reduction <maximumf>, %reduce_max3A_451, %reduce_max3A_452 [1, 2] : vector<1x128x1024xf32> to vector<1xf32>
    %reduce_max3A_454 = vector.shape_cast %reduce_max3A_453 : vector<1xf32> to vector<1x1x1xf32>
    %reduce_max3A_455 = vector.extract %reduce_max3A_454[0, 0, 0] : f32 from vector<1x1x1xf32>
    %get3A_456 = arith.constant 1408 : index
    %get3A_457 = arith.constant 0 : index
    %get3A_458 = vector.load %arg0[%get3A_456, %get3A_457] : memref<2048x1024xi32, #tpu.memory_space<vmem>>, vector<128x1024xi32>
    %bitcast3A_459 = tpu.bitcast %get3A_458 : vector<128x1024xi32> -> vector<128x1024xf32>
    %add3A_460 = arith.constant 1 : i32
    %add3A_461 = arith.addi %scan3A_20#0, %add3A_460 : i32
    %sub3A_462 = vector.broadcast %add3A_461 : i32 to vector<128x1024xi32>
    %sub3A_463 = arith.subi %get3A_458, %sub3A_462 : vector<128x1024xi32>
    %shift_right_logical3A_464 = arith.constant 31 : i32
    %shift_right_logical3A_465 = vector.broadcast %shift_right_logical3A_464 : i32 to vector<128x1024xi32>
    %shift_right_logical3A_466 = arith.shrui %sub3A_463, %shift_right_logical3A_465 : vector<128x1024xi32>
    %reduce_sum3A_467 = vector.shape_cast %shift_right_logical3A_466 : vector<128x1024xi32> to vector<1x128x1024xi32>
    %reduce_sum3A_468 = arith.constant dense<0> : vector<1xi32>
    %reduce_sum3A_469 = vector.multi_reduction <add>, %reduce_sum3A_467, %reduce_sum3A_468 [1, 2] : vector<1x128x1024xi32> to vector<1xi32>
    %reduce_sum3A_470 = vector.shape_cast %reduce_sum3A_469 : vector<1xi32> to vector<1x1x1xi32>
    %reduce_sum3A_471 = vector.extract %reduce_sum3A_470[0, 0, 0] : i32 from vector<1x1x1xi32>
    %sub3A_472 = arith.constant 1 : i32
    %sub3A_473 = vector.broadcast %sub3A_472 : i32 to vector<128x1024xi32>
    %sub3A_474 = arith.subi %sub3A_473, %shift_right_logical3A_466 : vector<128x1024xi32>
    %convert_element_type3A_475 = arith.sitofp %sub3A_474 : vector<128x1024xi32> to vector<128x1024xf32>
    %mul3A_476 = arith.mulf %bitcast3A_459, %convert_element_type3A_475 : vector<128x1024xf32>
    %reduce_sum3A_477 = vector.shape_cast %mul3A_476 : vector<128x1024xf32> to vector<1x128x1024xf32>
    %reduce_sum3A_478 = arith.constant dense<0.000000e+00> : vector<1xf32>
    %reduce_sum3A_479 = vector.multi_reduction <add>, %reduce_sum3A_477, %reduce_sum3A_478 [1, 2] : vector<1x128x1024xf32> to vector<1xf32>
    %reduce_sum3A_480 = vector.shape_cast %reduce_sum3A_479 : vector<1xf32> to vector<1x1x1xf32>
    %reduce_sum3A_481 = vector.extract %reduce_sum3A_480[0, 0, 0] : f32 from vector<1x1x1xf32>
    %add3A_482 = arith.constant 1 : i32
    %add3A_483 = arith.addi %scan3A_20#1, %add3A_482 : i32
    %sub3A_484 = vector.broadcast %add3A_483 : i32 to vector<128x1024xi32>
    %sub3A_485 = arith.subi %get3A_458, %sub3A_484 : vector<128x1024xi32>
    %shift_right_logical3A_486 = arith.constant 31 : i32
    %shift_right_logical3A_487 = vector.broadcast %shift_right_logical3A_486 : i32 to vector<128x1024xi32>
    %shift_right_logical3A_488 = arith.shrui %sub3A_485, %shift_right_logical3A_487 : vector<128x1024xi32>
    %convert_element_type3A_489 = arith.sitofp %shift_right_logical3A_488 : vector<128x1024xi32> to vector<128x1024xf32>
    %mul3A_490 = arith.mulf %bitcast3A_459, %convert_element_type3A_489 : vector<128x1024xf32>
    %reduce_max3A_491 = vector.shape_cast %mul3A_490 : vector<128x1024xf32> to vector<1x128x1024xf32>
    %reduce_max3A_492 = arith.constant dense<0xFF800000> : vector<1xf32>
    %reduce_max3A_493 = vector.multi_reduction <maximumf>, %reduce_max3A_491, %reduce_max3A_492 [1, 2] : vector<1x128x1024xf32> to vector<1xf32>
    %reduce_max3A_494 = vector.shape_cast %reduce_max3A_493 : vector<1xf32> to vector<1x1x1xf32>
    %reduce_max3A_495 = vector.extract %reduce_max3A_494[0, 0, 0] : f32 from vector<1x1x1xf32>
    %get3A_496 = arith.constant 1536 : index
    %get3A_497 = arith.constant 0 : index
    %get3A_498 = vector.load %arg0[%get3A_496, %get3A_497] : memref<2048x1024xi32, #tpu.memory_space<vmem>>, vector<128x1024xi32>
    %bitcast3A_499 = tpu.bitcast %get3A_498 : vector<128x1024xi32> -> vector<128x1024xf32>
    %add3A_500 = arith.constant 1 : i32
    %add3A_501 = arith.addi %scan3A_20#0, %add3A_500 : i32
    %sub3A_502 = vector.broadcast %add3A_501 : i32 to vector<128x1024xi32>
    %sub3A_503 = arith.subi %get3A_498, %sub3A_502 : vector<128x1024xi32>
    %shift_right_logical3A_504 = arith.constant 31 : i32
    %shift_right_logical3A_505 = vector.broadcast %shift_right_logical3A_504 : i32 to vector<128x1024xi32>
    %shift_right_logical3A_506 = arith.shrui %sub3A_503, %shift_right_logical3A_505 : vector<128x1024xi32>
    %reduce_sum3A_507 = vector.shape_cast %shift_right_logical3A_506 : vector<128x1024xi32> to vector<1x128x1024xi32>
    %reduce_sum3A_508 = arith.constant dense<0> : vector<1xi32>
    %reduce_sum3A_509 = vector.multi_reduction <add>, %reduce_sum3A_507, %reduce_sum3A_508 [1, 2] : vector<1x128x1024xi32> to vector<1xi32>
    %reduce_sum3A_510 = vector.shape_cast %reduce_sum3A_509 : vector<1xi32> to vector<1x1x1xi32>
    %reduce_sum3A_511 = vector.extract %reduce_sum3A_510[0, 0, 0] : i32 from vector<1x1x1xi32>
    %sub3A_512 = arith.constant 1 : i32
    %sub3A_513 = vector.broadcast %sub3A_512 : i32 to vector<128x1024xi32>
    %sub3A_514 = arith.subi %sub3A_513, %shift_right_logical3A_506 : vector<128x1024xi32>
    %convert_element_type3A_515 = arith.sitofp %sub3A_514 : vector<128x1024xi32> to vector<128x1024xf32>
    %mul3A_516 = arith.mulf %bitcast3A_499, %convert_element_type3A_515 : vector<128x1024xf32>
    %reduce_sum3A_517 = vector.shape_cast %mul3A_516 : vector<128x1024xf32> to vector<1x128x1024xf32>
    %reduce_sum3A_518 = arith.constant dense<0.000000e+00> : vector<1xf32>
    %reduce_sum3A_519 = vector.multi_reduction <add>, %reduce_sum3A_517, %reduce_sum3A_518 [1, 2] : vector<1x128x1024xf32> to vector<1xf32>
    %reduce_sum3A_520 = vector.shape_cast %reduce_sum3A_519 : vector<1xf32> to vector<1x1x1xf32>
    %reduce_sum3A_521 = vector.extract %reduce_sum3A_520[0, 0, 0] : f32 from vector<1x1x1xf32>
    %add3A_522 = arith.constant 1 : i32
    %add3A_523 = arith.addi %scan3A_20#1, %add3A_522 : i32
    %sub3A_524 = vector.broadcast %add3A_523 : i32 to vector<128x1024xi32>
    %sub3A_525 = arith.subi %get3A_498, %sub3A_524 : vector<128x1024xi32>
    %shift_right_logical3A_526 = arith.constant 31 : i32
    %shift_right_logical3A_527 = vector.broadcast %shift_right_logical3A_526 : i32 to vector<128x1024xi32>
    %shift_right_logical3A_528 = arith.shrui %sub3A_525, %shift_right_logical3A_527 : vector<128x1024xi32>
    %convert_element_type3A_529 = arith.sitofp %shift_right_logical3A_528 : vector<128x1024xi32> to vector<128x1024xf32>
    %mul3A_530 = arith.mulf %bitcast3A_499, %convert_element_type3A_529 : vector<128x1024xf32>
    %reduce_max3A_531 = vector.shape_cast %mul3A_530 : vector<128x1024xf32> to vector<1x128x1024xf32>
    %reduce_max3A_532 = arith.constant dense<0xFF800000> : vector<1xf32>
    %reduce_max3A_533 = vector.multi_reduction <maximumf>, %reduce_max3A_531, %reduce_max3A_532 [1, 2] : vector<1x128x1024xf32> to vector<1xf32>
    %reduce_max3A_534 = vector.shape_cast %reduce_max3A_533 : vector<1xf32> to vector<1x1x1xf32>
    %reduce_max3A_535 = vector.extract %reduce_max3A_534[0, 0, 0] : f32 from vector<1x1x1xf32>
    %get3A_536 = arith.constant 1664 : index
    %get3A_537 = arith.constant 0 : index
    %get3A_538 = vector.load %arg0[%get3A_536, %get3A_537] : memref<2048x1024xi32, #tpu.memory_space<vmem>>, vector<128x1024xi32>
    %bitcast3A_539 = tpu.bitcast %get3A_538 : vector<128x1024xi32> -> vector<128x1024xf32>
    %add3A_540 = arith.constant 1 : i32
    %add3A_541 = arith.addi %scan3A_20#0, %add3A_540 : i32
    %sub3A_542 = vector.broadcast %add3A_541 : i32 to vector<128x1024xi32>
    %sub3A_543 = arith.subi %get3A_538, %sub3A_542 : vector<128x1024xi32>
    %shift_right_logical3A_544 = arith.constant 31 : i32
    %shift_right_logical3A_545 = vector.broadcast %shift_right_logical3A_544 : i32 to vector<128x1024xi32>
    %shift_right_logical3A_546 = arith.shrui %sub3A_543, %shift_right_logical3A_545 : vector<128x1024xi32>
    %reduce_sum3A_547 = vector.shape_cast %shift_right_logical3A_546 : vector<128x1024xi32> to vector<1x128x1024xi32>
    %reduce_sum3A_548 = arith.constant dense<0> : vector<1xi32>
    %reduce_sum3A_549 = vector.multi_reduction <add>, %reduce_sum3A_547, %reduce_sum3A_548 [1, 2] : vector<1x128x1024xi32> to vector<1xi32>
    %reduce_sum3A_550 = vector.shape_cast %reduce_sum3A_549 : vector<1xi32> to vector<1x1x1xi32>
    %reduce_sum3A_551 = vector.extract %reduce_sum3A_550[0, 0, 0] : i32 from vector<1x1x1xi32>
    %sub3A_552 = arith.constant 1 : i32
    %sub3A_553 = vector.broadcast %sub3A_552 : i32 to vector<128x1024xi32>
    %sub3A_554 = arith.subi %sub3A_553, %shift_right_logical3A_546 : vector<128x1024xi32>
    %convert_element_type3A_555 = arith.sitofp %sub3A_554 : vector<128x1024xi32> to vector<128x1024xf32>
    %mul3A_556 = arith.mulf %bitcast3A_539, %convert_element_type3A_555 : vector<128x1024xf32>
    %reduce_sum3A_557 = vector.shape_cast %mul3A_556 : vector<128x1024xf32> to vector<1x128x1024xf32>
    %reduce_sum3A_558 = arith.constant dense<0.000000e+00> : vector<1xf32>
    %reduce_sum3A_559 = vector.multi_reduction <add>, %reduce_sum3A_557, %reduce_sum3A_558 [1, 2] : vector<1x128x1024xf32> to vector<1xf32>
    %reduce_sum3A_560 = vector.shape_cast %reduce_sum3A_559 : vector<1xf32> to vector<1x1x1xf32>
    %reduce_sum3A_561 = vector.extract %reduce_sum3A_560[0, 0, 0] : f32 from vector<1x1x1xf32>
    %add3A_562 = arith.constant 1 : i32
    %add3A_563 = arith.addi %scan3A_20#1, %add3A_562 : i32
    %sub3A_564 = vector.broadcast %add3A_563 : i32 to vector<128x1024xi32>
    %sub3A_565 = arith.subi %get3A_538, %sub3A_564 : vector<128x1024xi32>
    %shift_right_logical3A_566 = arith.constant 31 : i32
    %shift_right_logical3A_567 = vector.broadcast %shift_right_logical3A_566 : i32 to vector<128x1024xi32>
    %shift_right_logical3A_568 = arith.shrui %sub3A_565, %shift_right_logical3A_567 : vector<128x1024xi32>
    %convert_element_type3A_569 = arith.sitofp %shift_right_logical3A_568 : vector<128x1024xi32> to vector<128x1024xf32>
    %mul3A_570 = arith.mulf %bitcast3A_539, %convert_element_type3A_569 : vector<128x1024xf32>
    %reduce_max3A_571 = vector.shape_cast %mul3A_570 : vector<128x1024xf32> to vector<1x128x1024xf32>
    %reduce_max3A_572 = arith.constant dense<0xFF800000> : vector<1xf32>
    %reduce_max3A_573 = vector.multi_reduction <maximumf>, %reduce_max3A_571, %reduce_max3A_572 [1, 2] : vector<1x128x1024xf32> to vector<1xf32>
    %reduce_max3A_574 = vector.shape_cast %reduce_max3A_573 : vector<1xf32> to vector<1x1x1xf32>
    %reduce_max3A_575 = vector.extract %reduce_max3A_574[0, 0, 0] : f32 from vector<1x1x1xf32>
    %get3A_576 = arith.constant 1792 : index
    %get3A_577 = arith.constant 0 : index
    %get3A_578 = vector.load %arg0[%get3A_576, %get3A_577] : memref<2048x1024xi32, #tpu.memory_space<vmem>>, vector<128x1024xi32>
    %bitcast3A_579 = tpu.bitcast %get3A_578 : vector<128x1024xi32> -> vector<128x1024xf32>
    %add3A_580 = arith.constant 1 : i32
    %add3A_581 = arith.addi %scan3A_20#0, %add3A_580 : i32
    %sub3A_582 = vector.broadcast %add3A_581 : i32 to vector<128x1024xi32>
    %sub3A_583 = arith.subi %get3A_578, %sub3A_582 : vector<128x1024xi32>
    %shift_right_logical3A_584 = arith.constant 31 : i32
    %shift_right_logical3A_585 = vector.broadcast %shift_right_logical3A_584 : i32 to vector<128x1024xi32>
    %shift_right_logical3A_586 = arith.shrui %sub3A_583, %shift_right_logical3A_585 : vector<128x1024xi32>
    %reduce_sum3A_587 = vector.shape_cast %shift_right_logical3A_586 : vector<128x1024xi32> to vector<1x128x1024xi32>
    %reduce_sum3A_588 = arith.constant dense<0> : vector<1xi32>
    %reduce_sum3A_589 = vector.multi_reduction <add>, %reduce_sum3A_587, %reduce_sum3A_588 [1, 2] : vector<1x128x1024xi32> to vector<1xi32>
    %reduce_sum3A_590 = vector.shape_cast %reduce_sum3A_589 : vector<1xi32> to vector<1x1x1xi32>
    %reduce_sum3A_591 = vector.extract %reduce_sum3A_590[0, 0, 0] : i32 from vector<1x1x1xi32>
    %sub3A_592 = arith.constant 1 : i32
    %sub3A_593 = vector.broadcast %sub3A_592 : i32 to vector<128x1024xi32>
    %sub3A_594 = arith.subi %sub3A_593, %shift_right_logical3A_586 : vector<128x1024xi32>
    %convert_element_type3A_595 = arith.sitofp %sub3A_594 : vector<128x1024xi32> to vector<128x1024xf32>
    %mul3A_596 = arith.mulf %bitcast3A_579, %convert_element_type3A_595 : vector<128x1024xf32>
    %reduce_sum3A_597 = vector.shape_cast %mul3A_596 : vector<128x1024xf32> to vector<1x128x1024xf32>
    %reduce_sum3A_598 = arith.constant dense<0.000000e+00> : vector<1xf32>
    %reduce_sum3A_599 = vector.multi_reduction <add>, %reduce_sum3A_597, %reduce_sum3A_598 [1, 2] : vector<1x128x1024xf32> to vector<1xf32>
    %reduce_sum3A_600 = vector.shape_cast %reduce_sum3A_599 : vector<1xf32> to vector<1x1x1xf32>
    %reduce_sum3A_601 = vector.extract %reduce_sum3A_600[0, 0, 0] : f32 from vector<1x1x1xf32>
    %add3A_602 = arith.constant 1 : i32
    %add3A_603 = arith.addi %scan3A_20#1, %add3A_602 : i32
    %sub3A_604 = vector.broadcast %add3A_603 : i32 to vector<128x1024xi32>
    %sub3A_605 = arith.subi %get3A_578, %sub3A_604 : vector<128x1024xi32>
    %shift_right_logical3A_606 = arith.constant 31 : i32
    %shift_right_logical3A_607 = vector.broadcast %shift_right_logical3A_606 : i32 to vector<128x1024xi32>
    %shift_right_logical3A_608 = arith.shrui %sub3A_605, %shift_right_logical3A_607 : vector<128x1024xi32>
    %convert_element_type3A_609 = arith.sitofp %shift_right_logical3A_608 : vector<128x1024xi32> to vector<128x1024xf32>
    %mul3A_610 = arith.mulf %bitcast3A_579, %convert_element_type3A_609 : vector<128x1024xf32>
    %reduce_max3A_611 = vector.shape_cast %mul3A_610 : vector<128x1024xf32> to vector<1x128x1024xf32>
    %reduce_max3A_612 = arith.constant dense<0xFF800000> : vector<1xf32>
    %reduce_max3A_613 = vector.multi_reduction <maximumf>, %reduce_max3A_611, %reduce_max3A_612 [1, 2] : vector<1x128x1024xf32> to vector<1xf32>
    %reduce_max3A_614 = vector.shape_cast %reduce_max3A_613 : vector<1xf32> to vector<1x1x1xf32>
    %reduce_max3A_615 = vector.extract %reduce_max3A_614[0, 0, 0] : f32 from vector<1x1x1xf32>
    %get3A_616 = arith.constant 1920 : index
    %get3A_617 = arith.constant 0 : index
    %get3A_618 = vector.load %arg0[%get3A_616, %get3A_617] : memref<2048x1024xi32, #tpu.memory_space<vmem>>, vector<128x1024xi32>
    %bitcast3A_619 = tpu.bitcast %get3A_618 : vector<128x1024xi32> -> vector<128x1024xf32>
    %add3A_620 = arith.constant 1 : i32
    %add3A_621 = arith.addi %scan3A_20#0, %add3A_620 : i32
    %sub3A_622 = vector.broadcast %add3A_621 : i32 to vector<128x1024xi32>
    %sub3A_623 = arith.subi %get3A_618, %sub3A_622 : vector<128x1024xi32>
    %shift_right_logical3A_624 = arith.constant 31 : i32
    %shift_right_logical3A_625 = vector.broadcast %shift_right_logical3A_624 : i32 to vector<128x1024xi32>
    %shift_right_logical3A_626 = arith.shrui %sub3A_623, %shift_right_logical3A_625 : vector<128x1024xi32>
    %reduce_sum3A_627 = vector.shape_cast %shift_right_logical3A_626 : vector<128x1024xi32> to vector<1x128x1024xi32>
    %reduce_sum3A_628 = arith.constant dense<0> : vector<1xi32>
    %reduce_sum3A_629 = vector.multi_reduction <add>, %reduce_sum3A_627, %reduce_sum3A_628 [1, 2] : vector<1x128x1024xi32> to vector<1xi32>
    %reduce_sum3A_630 = vector.shape_cast %reduce_sum3A_629 : vector<1xi32> to vector<1x1x1xi32>
    %reduce_sum3A_631 = vector.extract %reduce_sum3A_630[0, 0, 0] : i32 from vector<1x1x1xi32>
    %sub3A_632 = arith.constant 1 : i32
    %sub3A_633 = vector.broadcast %sub3A_632 : i32 to vector<128x1024xi32>
    %sub3A_634 = arith.subi %sub3A_633, %shift_right_logical3A_626 : vector<128x1024xi32>
    %convert_element_type3A_635 = arith.sitofp %sub3A_634 : vector<128x1024xi32> to vector<128x1024xf32>
    %mul3A_636 = arith.mulf %bitcast3A_619, %convert_element_type3A_635 : vector<128x1024xf32>
    %reduce_sum3A_637 = vector.shape_cast %mul3A_636 : vector<128x1024xf32> to vector<1x128x1024xf32>
    %reduce_sum3A_638 = arith.constant dense<0.000000e+00> : vector<1xf32>
    %reduce_sum3A_639 = vector.multi_reduction <add>, %reduce_sum3A_637, %reduce_sum3A_638 [1, 2] : vector<1x128x1024xf32> to vector<1xf32>
    %reduce_sum3A_640 = vector.shape_cast %reduce_sum3A_639 : vector<1xf32> to vector<1x1x1xf32>
    %reduce_sum3A_641 = vector.extract %reduce_sum3A_640[0, 0, 0] : f32 from vector<1x1x1xf32>
    %add3A_642 = arith.constant 1 : i32
    %add3A_643 = arith.addi %scan3A_20#1, %add3A_642 : i32
    %sub3A_644 = vector.broadcast %add3A_643 : i32 to vector<128x1024xi32>
    %sub3A_645 = arith.subi %get3A_618, %sub3A_644 : vector<128x1024xi32>
    %shift_right_logical3A_646 = arith.constant 31 : i32
    %shift_right_logical3A_647 = vector.broadcast %shift_right_logical3A_646 : i32 to vector<128x1024xi32>
    %shift_right_logical3A_648 = arith.shrui %sub3A_645, %shift_right_logical3A_647 : vector<128x1024xi32>
    %convert_element_type3A_649 = arith.sitofp %shift_right_logical3A_648 : vector<128x1024xi32> to vector<128x1024xf32>
    %mul3A_650 = arith.mulf %bitcast3A_619, %convert_element_type3A_649 : vector<128x1024xf32>
    %reduce_max3A_651 = vector.shape_cast %mul3A_650 : vector<128x1024xf32> to vector<1x128x1024xf32>
    %reduce_max3A_652 = arith.constant dense<0xFF800000> : vector<1xf32>
    %reduce_max3A_653 = vector.multi_reduction <maximumf>, %reduce_max3A_651, %reduce_max3A_652 [1, 2] : vector<1x128x1024xf32> to vector<1xf32>
    %reduce_max3A_654 = vector.shape_cast %reduce_max3A_653 : vector<1xf32> to vector<1x1x1xf32>
    %reduce_max3A_655 = vector.extract %reduce_max3A_654[0, 0, 0] : f32 from vector<1x1x1xf32>
    %add3A_656 = arith.constant 0 : i32
    %add3A_657 = arith.addi %add3A_656, %reduce_sum3A_33 : i32
    %add3A_658 = arith.addi %add3A_657, %reduce_sum3A_71 : i32
    %add3A_659 = arith.addi %add3A_658, %reduce_sum3A_111 : i32
    %add3A_660 = arith.addi %add3A_659, %reduce_sum3A_151 : i32
    %add3A_661 = arith.addi %add3A_660, %reduce_sum3A_191 : i32
    %add3A_662 = arith.addi %add3A_661, %reduce_sum3A_231 : i32
    %add3A_663 = arith.addi %add3A_662, %reduce_sum3A_271 : i32
    %add3A_664 = arith.addi %add3A_663, %reduce_sum3A_311 : i32
    %add3A_665 = arith.addi %add3A_664, %reduce_sum3A_351 : i32
    %add3A_666 = arith.addi %add3A_665, %reduce_sum3A_391 : i32
    %add3A_667 = arith.addi %add3A_666, %reduce_sum3A_431 : i32
    %add3A_668 = arith.addi %add3A_667, %reduce_sum3A_471 : i32
    %add3A_669 = arith.addi %add3A_668, %reduce_sum3A_511 : i32
    %add3A_670 = arith.addi %add3A_669, %reduce_sum3A_551 : i32
    %add3A_671 = arith.addi %add3A_670, %reduce_sum3A_591 : i32
    %add3A_672 = arith.addi %add3A_671, %reduce_sum3A_631 : i32
    %sub3A_673 = arith.constant 2097152 : i32
    %sub3A_674 = arith.subi %sub3A_673, %add3A_672 : i32
    %add3A_675 = arith.constant 0.000000e+00 : f32
    %add3A_676 = arith.addf %add3A_675, %reduce_sum3A_42 : f32
    %add3A_677 = arith.addf %add3A_676, %reduce_sum3A_81 : f32
    %add3A_678 = arith.addf %add3A_677, %reduce_sum3A_121 : f32
    %add3A_679 = arith.addf %add3A_678, %reduce_sum3A_161 : f32
    %add3A_680 = arith.addf %add3A_679, %reduce_sum3A_201 : f32
    %add3A_681 = arith.addf %add3A_680, %reduce_sum3A_241 : f32
    %add3A_682 = arith.addf %add3A_681, %reduce_sum3A_281 : f32
    %add3A_683 = arith.addf %add3A_682, %reduce_sum3A_321 : f32
    %add3A_684 = arith.addf %add3A_683, %reduce_sum3A_361 : f32
    %add3A_685 = arith.addf %add3A_684, %reduce_sum3A_401 : f32
    %add3A_686 = arith.addf %add3A_685, %reduce_sum3A_441 : f32
    %add3A_687 = arith.addf %add3A_686, %reduce_sum3A_481 : f32
    %add3A_688 = arith.addf %add3A_687, %reduce_sum3A_521 : f32
    %add3A_689 = arith.addf %add3A_688, %reduce_sum3A_561 : f32
    %add3A_690 = arith.addf %add3A_689, %reduce_sum3A_601 : f32
    %add3A_691 = arith.addf %add3A_690, %reduce_sum3A_641 : f32
    %stack3A = vector.broadcast %reduce_max3A_55 : f32 to vector<1xf32>
    %stack3A_692 = vector.broadcast %reduce_max3A_95 : f32 to vector<1xf32>
    %stack3A_693 = vector.broadcast %reduce_max3A_135 : f32 to vector<1xf32>
    %stack3A_694 = vector.broadcast %reduce_max3A_175 : f32 to vector<1xf32>
    %stack3A_695 = vector.broadcast %reduce_max3A_215 : f32 to vector<1xf32>
    %stack3A_696 = vector.broadcast %reduce_max3A_255 : f32 to vector<1xf32>
    %stack3A_697 = vector.broadcast %reduce_max3A_295 : f32 to vector<1xf32>
    %stack3A_698 = vector.broadcast %reduce_max3A_335 : f32 to vector<1xf32>
    %stack3A_699 = vector.broadcast %reduce_max3A_375 : f32 to vector<1xf32>
    %stack3A_700 = vector.broadcast %reduce_max3A_415 : f32 to vector<1xf32>
    %stack3A_701 = vector.broadcast %reduce_max3A_455 : f32 to vector<1xf32>
    %stack3A_702 = vector.broadcast %reduce_max3A_495 : f32 to vector<1xf32>
    %stack3A_703 = vector.broadcast %reduce_max3A_535 : f32 to vector<1xf32>
    %stack3A_704 = vector.broadcast %reduce_max3A_575 : f32 to vector<1xf32>
    %stack3A_705 = vector.broadcast %reduce_max3A_615 : f32 to vector<1xf32>
    %stack3A_706 = vector.broadcast %reduce_max3A_655 : f32 to vector<1xf32>
    %stack3A_707 = tpu.concatenate %stack3A, %stack3A_692, %stack3A_693, %stack3A_694, %stack3A_695, %stack3A_696, %stack3A_697, %stack3A_698, %stack3A_699, %stack3A_700, %stack3A_701, %stack3A_702, %stack3A_703, %stack3A_704, %stack3A_705, %stack3A_706 in 0 : vector<1xf32>, vector<1xf32>, vector<1xf32>, vector<1xf32>, vector<1xf32>, vector<1xf32>, vector<1xf32>, vector<1xf32>, vector<1xf32>, vector<1xf32>, vector<1xf32>, vector<1xf32>, vector<1xf32>, vector<1xf32>, vector<1xf32>, vector<1xf32> -> vector<16xf32>
    %reduce_max3A_708 = vector.shape_cast %stack3A_707 : vector<16xf32> to vector<1x16xf32>
    %reduce_max3A_709 = arith.constant dense<0xFF800000> : vector<1xf32>
    %reduce_max3A_710 = vector.multi_reduction <maximumf>, %reduce_max3A_708, %reduce_max3A_709 [1] : vector<1x16xf32> to vector<1xf32>
    %reduce_max3A_711 = vector.shape_cast %reduce_max3A_710 : vector<1xf32> to vector<1x1xf32>
    %reduce_max3A_712 = vector.extract %reduce_max3A_711[0, 0] : f32 from vector<1x1xf32>
    %sub3A_713 = arith.constant 209715 : i32
    %sub3A_714 = arith.subi %sub3A_713, %sub3A_674 : i32
    %convert_element_type3A_715 = arith.sitofp %sub3A_714 : i32 to f32
    %mul3A_716 = arith.mulf %convert_element_type3A_715, %reduce_max3A_712 : f32
    %add3A_717 = arith.addf %add3A_691, %mul3A_716 : f32
    %div3A = arith.constant 2.097150e+05 : f32
    %div3A_718 = arith.divf %add3A_717, %div3A : f32
    %get3A_719 = arith.constant 0 : index
    %get3A_720 = arith.constant 0 : index
    %get3A_721 = vector.load %arg2[%get3A_719, %get3A_720] : memref<1x1xf32, #tpu.memory_space<vmem>>, vector<1x1xf32>
    %add3A_722 = vector.broadcast %div3A_718 : f32 to vector<1x1xf32>
    %add3A_723 = arith.addf %get3A_721, %add3A_722 : vector<1x1xf32>
    %swap3A = arith.constant 0 : index
    %swap3A_724 = arith.constant 0 : index
    %swap3A_725 = vector.load %arg3[%swap3A, %swap3A_724] : memref<1x1xf32, #tpu.memory_space<vmem>>, vector<1x1xf32>
    tpu.vector_store %arg3[%swap3A, %swap3A_724], %add3A_723 {strides = array<i32>} : memref<1x1xf32, #tpu.memory_space<vmem>>, vector<1x1xf32>,
    return
  }
}

</mosaic_0001>

<sc_bundles>
// kernel: kernel.5.cloned.1.call-start
scs
__scs_entry_jumppad:
0x0: {  	(pc) =	sbr.rel $0x88, $3  }
0x1: {  	(tag) =	ssettag $0x0;
	lr =	simm.s32 $0x1  }
0x2: {  	[smem:$0x3F9F] =	sst lr;
	_ =	strace $0xD0000000  }
0x3: {  	_ = 	snop  }
0x4: {  	_ = 	snop  }
0x5: {  	_ = 	snop  }
0x6: {  	_ = 	snop  }
0x7: {  	_ = 	snop  }
__scs_overlays_trampoline_lowered:
0x8: {  	[smem:$0x3FAE] =	sst s0  }
0x9: {  	[smem:$0x3FAF] =	sst s1  }
0xa: {  	[smem:$0x3FB0] =	sst s2  }
0xb: {  	[smem:$0x3FB1] =	sst s3  }
0xc: {  	[smem:$0x3FB2] =	sst s4  }
0xd: {  	[smem:$0x3FB3] =	sst s5  }
0xe: {  	[smem:$0x3FB4] =	sst s6  }
0xf: {  	[smem:$0x3FB5] =	sst s7  }
0x10: {  	[smem:$0x3FB6] =	sst s8  }
0x11: {  	[smem:$0x3FB7] =	sst s9;
	s0 =	simm.s32 @!p0 $0x0  }
0x12: {  	s1 =	sld [smem:$0x3F9D];
	s0 =	simm.s32 @p0 $0x1  }
0x13: {  	[smem:$0x3FB8] =	sst s0;
	s0 =	simm.s32 @!p1 $0x0  }
0x14: {  	s2 =	sld [smem:$0x3F9C];
	s0 =	simm.s32 @p1 $0x1  }
0x15: {  	[smem:$0x3FB9] =	sst s0;
	s0 =	simm.s32 @!p2 $0x0  }
0x16: {  	s3 =	sld [smem:$0x3FDB];
	s0 =	simm.s32 @p2 $0x1  }
0x17: {  	s4 =	simm.s32 $0x1BF5;
	[smem:$0x3FBB] =	sst s0  }
0x18: {  	s0 =	sld [smem:$0x3F9E];
	_ =	swait.ge [sflag:s4], $0x0  }
0x19: {  	s7 =	sld [smem:$0x3F9F]  }
0x1a: {  	s8 =	sadd.s32 $0xFFFFE003, lr  }
0x1b: {  	s9 =	sadd.s32 $0xFFFFFEF7, lr;
	s5 =	simm.s32 $0xFFFFFFFF;
	p2 =	slt.u32 s8, $0xFFFFF086  }
0x1c: {  	p1 =	slt.u32 s9, $0xF7A;
	s5 =	simm.s32 @!p2 $0x0  }
0x1d: {  	s5 =	simm.s32 @p1 $0x1;
	p0 =	seq.s32 s7, s2  }
0x1e: {  	s7 =	smul.u32 @!p0 $0xF7A, s2;
	p2 =	seq.s32 @!p0 s5, $0x0  }
0x1f: {  	s9 =	smul.u32 $0xF7A, s1;
	s8 =	simm.s32 @!p0 $0x1BF5;
	p2 =	por !p2, p0  }
0x20: {  	[sflag:s8] =	ssyncset.s32 @!p0 $0xFFFFF086;
	s6 =	sadd.s32 @!p0 s3, s7;
	s7 =	simm.s32 @!p0 $0x108  }
0x21: {  	s3 =	sadd.s32 s3, s9;
	s6 =	sadd.s32 @!p0 $0x88, s6;
	s7 =	simm.s32 @p2 $0x1082  }
0x22: {  	[simem:s7], [sflag:s8] =	dma.local @!p0 [hbm:s6], $0xF7A  }
0x23: {  	s9 =	sor.u32 $0xD0000000, s2;
	s6 =	simm.s32 $0x108;
	_ =	swait.ge @!p0 [sflag:s8], $0x0  }
0x24: {  	s3 =	sadd.s32 $0x88, s3;
	s6 =	simm.s32 @!p1 $0x1082;
	[sflag:s4] =	ssyncset.s32 $0xFFFFF086  }
0x25: {  	[simem:s6], [sflag:s4] =	dma.local [hbm:s3], $0xF7A  }
0x26: {  	[smem:$0x3F9F] =	sst s1;
	(tag) =	ssettag s2;
	_ =	strace s9  }
0x27: {  	s1 =	sld [smem:$0x3FAF]  }
0x28: {  	s2 =	sld [smem:$0x3FB0]  }
0x29: {  	s4 =	sld [smem:$0x3FB2]  }
0x2a: {  	p0 =	seq.s32 s5, $0x0;
	s5 =	sld [smem:$0x3FB3]  }
0x2b: {  	s6 =	sld [smem:$0x3FB4]  }
0x2c: {  	s7 =	sld [smem:$0x3FB5]  }
0x2d: {  	s3 =	simm.s32 $0x108;
	s8 =	sld [smem:$0x3FB6]  }
0x2e: {  	s3 =	simm.s32 @!p0 $0x1082;
	s9 =	sld [smem:$0x3FB7]  }
0x2f: {  	lr =	sadd.s32 s0, s3;
	s0 =	sld [smem:$0x3FAE]  }
0x30: {  	s3 =	sld [smem:$0x3FB1]  }
0x31: {  	[smem:$0x3FBA] =	sst s10  }
0x32: {  	s10 =	sld [smem:$0x3FB8];
	_ =	sdelay $0x3  }
0x33: {  	p0 =	seq.s32 s10, $0x1;
	s10 =	sld [smem:$0x3FBA];
	_ =	sdelay $0x3  }
0x34: {  	[smem:$0x3FBA] =	sst s10  }
0x35: {  	s10 =	sld [smem:$0x3FB9];
	_ =	sdelay $0x3  }
0x36: {  	p1 =	seq.s32 s10, $0x1;
	s10 =	sld [smem:$0x3FBA];
	_ =	sdelay $0x3  }
0x37: {  	[smem:$0x3FBA] =	sst s10  }
0x38: {  	s10 =	sld [smem:$0x3FBB]  }
0x39: {  	_ = 	snop;
	(pc) =	sbr.ind lr, $3  }
0x3a: {  	_ = 	snop  }
0x3b: {  	_ = 	snop  }
0x3c: {  	p2 =	seq.s32 s10, $0x1;
	s10 =	sld [smem:$0x3FBA]  }
0x3d: {  	_ =	shalt  }
0x3e: {  	_ =	shalt  }
0x3f: {  	_ =	shalt  }
0x40: {  	_ =	shalt  }
0x41: {  	_ =	shalt  }
0x42: {  	_ =	shalt  }
0x43: {  	_ =	shalt  }
0x44: {  	_ =	shalt  }
0x45: {  	_ =	shalt  }
0x46: {  	_ =	shalt  }
0x47: {  	_ =	shalt  }
0x48: {  	_ =	shalt  }
0x49: {  	_ =	shalt  }
0x4a: {  	_ =	shalt  }
0x4b: {  	_ =	shalt  }
0x4c: {  	_ =	shalt  }
0x4d: {  	_ =	shalt  }
0x4e: {  	_ =	shalt  }
0x4f: {  	_ =	shalt  }
0x50: {  	_ =	shalt  }
0x51: {  	_ =	shalt  }
0x52: {  	_ =	shalt  }
0x53: {  	_ =	shalt  }
0x54: {  	_ =	shalt  }
0x55: {  	_ =	shalt  }
0x56: {  	_ =	shalt  }
0x57: {  	_ =	shalt  }
0x58: {  	_ =	shalt  }
0x59: {  	_ =	shalt  }
0x5a: {  	_ =	shalt  }
0x5b: {  	_ =	shalt  }
0x5c: {  	_ =	shalt  }
0x5d: {  	_ =	shalt  }
0x5e: {  	_ =	shalt  }
0x5f: {  	_ =	shalt  }
0x60: {  	_ =	shalt  }
0x61: {  	_ =	shalt  }
0x62: {  	_ =	shalt  }
0x63: {  	_ =	shalt  }
0x64: {  	_ =	shalt  }
0x65: {  	_ =	shalt  }
0x66: {  	_ =	shalt  }
0x67: {  	_ =	shalt  }
0x68: {  	_ =	shalt  }
0x69: {  	_ =	shalt  }
0x6a: {  	_ =	shalt  }
0x6b: {  	_ =	shalt  }
0x6c: {  	_ =	shalt  }
0x6d: {  	_ =	shalt  }
0x6e: {  	_ =	shalt  }
0x6f: {  	_ =	shalt  }
0x70: {  	_ =	shalt  }
0x71: {  	_ =	shalt  }
0x72: {  	_ =	shalt  }
0x73: {  	_ =	shalt  }
0x74: {  	_ =	shalt  }
0x75: {  	_ =	shalt  }
0x76: {  	_ =	shalt  }
0x77: {  	_ =	shalt  }
0x78: {  	_ =	shalt  }
0x79: {  	_ =	shalt  }
0x7a: {  	_ =	shalt  }
0x7b: {  	_ =	shalt  }
0x7c: {  	_ =	shalt  }
0x7d: {  	_ =	shalt  }
0x7e: {  	_ =	shalt  }
0x7f: {  	_ =	shalt  }
0x80: {  	_ =	shalt  }
0x81: {  	_ =	shalt  }
0x82: {  	_ =	shalt  }
0x83: {  	_ =	shalt  }
0x84: {  	_ =	shalt  }
0x85: {  	_ =	shalt  }
0x86: {  	_ =	shalt  }
0x87: {  	_ =	shalt  }
.Lfunc_end0:
.L_simem_size_0:
called_computation_lowered:
.L_overlay_start_0:
0x88: {  	s2 =	sld [smem:$0x3FD9]  }
0x89: {  	s3 =	sld [smem:$0x3FFE];
	_ =	sdelay $0x1  }
0x8a: {  	s1 =	srdreg.scid  }
0x8b: {  	s0 =	sand.u32 $0x1, s1  }
0x8c: {  	s16 =	sshll.u32 s0, $0xA;
	s2 =	sadd.s32 s3, s2  }
0x8d: {  	s2 =	sadd.s32 s2, s16  }
0x8e: {  	[smem:$0x3FC6] =	sst s2  }
0x8f: {  	_ = 	snop  }
0x90: {  	(tm) =	ssettm $0x1  }
0x91: {  	s17 =	sld [smem:$0x3FFB];
	_ =	sdelay $0x3  }
0x92: {  	_ =	strace s17  }
0x93: {  	s2 =	sld [smem:$0x3FFC];
	_ =	sdelay $0x3  }
0x94: {  	_ =	strace s2  }
0x95: {  	s2 =	sld [smem:$0x3FFD];
	_ =	sdelay $0x3  }
0x96: {  	_ =	strace s2  }
0x97: {  	_ =	strace $0x8FFFFFFF  }
0x98: {  	s18 =	sld [smem:$0x3FDB];
	_ =	sdelay $0x1  }
0x99: {  	s19 =	simm.s32 $_scs_section_size  }
0x9a: {  	s4 =	simm.s32 $_size__tile_overlayer_lowered;
	s5 =	simm.s32 $_tile_overlayer_lowered  }
0x9b: {  	s22 =	simm.s32 $0x1BFF;
	s21 =	sshll.u32 s5, $0x1;
	s2 =	sadd.s32 s19, s18  }
0x9c: {  	s6 =	simm.s32 $0x0;
	s20 =	sshll.u32 s4, $0x1;
	s4 =	sadd.s32 s21, s2  }
0x9d: {  	[timem:s6], [sflag:s22] =	dma.local [hbm:s4], s20  }
0x9e: {  	_ =	swait.ge [sflag:s22], s20  }
0x9f: {  	s3 =	ssub.s32 $0x0, s20;
	[sflag:s22] =	ssyncset.done $0x0  }
0xa0: {  	[sflag:s22] =	ssyncadd.s32 s3;
	_ =	sdelay $0x1  }
0xa1: {  	s23 =	simm.s32 $0x1B8B  }
0xa2: {  	_ =	swait.ge [sflag:s23], $0x1  }
0xa3: {  	[sflag:s23] =	ssyncset.done $0x0  }
0xa4: {  	s25 =	simm.s32 $0x1B8E;
	s24 =	sld [smem:$0x3FFE];
	[sflag:s23] =	ssyncadd.s32 $0xFFFFFFFF  }
0xa5: {  	s26 =	simm.s32 $execute0_lowered;
	[smem:$0x3FD2] =	sst s25  }
0xa6: {  	s4 =	sshll.u32 s26, $0x1;
	_ =	strace $0x80000046;
	[dreg:$0x1] =	wrdreg $0xFFFFFFFF  }
0xa7: {  	s28 =	simm.s32 $_size_execute0_lowered;
	s2 =	sadd.s32 s2, s4;
	[dreg:$0x0] =	wrdreg $0x0  }
0xa8: {  	s4 =	sshll.u32 s28, $0x1;
	[dreg:$0x2] =	wrdreg s2  }
0xa9: {  	[dreg:$0x3] =	wrdreg s4  }
0xaa: {  	[dreg:$0x4] =	wrdreg $0xC0  }
0xab: {  	_ =	task [dreg:s6], $0x5FFFF  }
0xac: {  	[dreg:$0x1] =	wrdreg $0xFFFFFFFF  }
0xad: {  	[dreg:$0x0] =	wrdreg $0x60  }
0xae: {  	[dreg:$0x2] =	wrdreg s24  }
0xaf: {  	[dreg:$0x3] =	wrdreg $0x9  }
0xb0: {  	_ =	task.clear_ibuf [dreg:s6], $0x4FFFF;
	_ =	strace $0x90000046  }
0xb1: {  	s29 =	simm.s32 $0x9;
	_ =	strace $0x80000048  }
0xb2: {  	_ =	swait.ge [sflag:s29], $0x1  }
0xb3: {  	[sflag:s29] =	ssyncadd.s32 $0xFFFFFFFF  }
0xb4: {  	_ =	strace $0x90000048  }
0xb5: {  	_ =	sfence  }
0xb6: {  	s30 =	sld [smem:$0x0];
	_ =	sdelay $0x2  }
0xb7: {  	s31 =	sshll.u32 s1, $0xD;
	s1 =	sshrl.u32 s1, $0x2  }
0xb8: {  	s3 =	sand.u32 $0x4000, s31;
	s1 =	sadd.s32 s1, s30  }
0xb9: {  	s0 =	sor.u32 s3, s0;
	s1 =	sshll.u32 s1, $0x11  }
0xba: {  	s0 =	sor.u32 s1, s0  }
0xbb: {  	s0 =	sadd.s32 $0x8F2B, s0  }
0xbc: {  	[sflag:s0] =	ssyncadd.remote.s32 $0x1  }
0xbd: {  	_ =	sfence.sel $0xFFFF  }
0xbe: {  	[dreg:$0x0] =	wrdreg $0xFFFFFFFF;
	(pc) =	sbr.abs _section_cstart, $3  }
0xbf: {  	[dreg:$0x1] =	wrdreg $0xFFFFFFFF  }
0xc0: {  	_ =	task.clear_ibuf [dreg:s6], $0x2FFFF;
	_ =	strace $0x9FFFFFFF  }
0xc1: {  	(tm) =	ssettm $0x7FFFFFFF  }
tec
execute0_lowered:
.L_overlay_start_1:
0x0: {  	(tag) =	ssettag $0x1  }
0x1: {  	s3 =	rddreg [dreg:$0x0];
	s2 =	srdreg.scid  }
0x2: {  	s1 =	stileid.u32;
	s0 =	rddreg [dreg:$0x1];
	s10 =	simm.s32 $0x4000  }
0x3: {  	s11 =	simm.s32 $0x80;
	s12 =	simm.s32 $0x400;
	s4 =	sand.u32 $0x1, s2  }
0x4: {  	s5 =	sshll.u32 s1, $0x1;
	s2 =	simm.s32 $0x0;
	s6 =	sshrl.u32 s1, $0x2  }
0x5: {  	s5 =	sor.u32 s4, s5;
	[smem:$0x7FF] =	sst s2;
	s6 =	smul.u32 $0x44000, s6  }
0x6: {  	s4 =	ssub.s32 $0x2, s4;
	s7 =	sshll.u32 s5, $0x7;
	_ =	strace $0x80000047  }
0x7: {  	s5 =	sshll.u32 s5, $0xD;
	s31 =	sshrl.u32 s4, $0x1;
	s7 =	sand.u32 $0x380, s7  }
0x8: {  	s29 =	sadd.s32 s5, s3;
	s9 =	ssub.s32 s4, s31;
	s6 =	sor.u32 s6, s7  }
0x9: {  	s4 =	sadd.s32 $0x1000, s29;
	s5 =	sadd.s32 $0x1800, s29;
	s30 =	sshrl.u32 s6, $0x3  }
0xa: {  	s6 =	sadd.s32 $0x2000, s29;
	s8 =	sadd.s32 s30, s3;
	s3 =	sadd.s32 $0x800, s29  }
0xb: {  	v0 =	vimm.s32 $0x0;
	v1 =	vimm.s32 $0x1;
	s7 =	sadd.s32 $0x40A00, s8;
	s8 =	smax.u32 s9, $0x1;
	s9 =	simm.s32 $0x1  }
.LBB2_1:
0xc: {  	s13 =	simm.s32 $0x40;
	s14 =	simm.s32 $0x0  }
.LBB2_2:
0xd: {  	p0 =	sne.s32 s13, $0x21FC0;
	[tilespmem:s14+$0x4000] =	vst v0;
	s14 =	smov.u32 s13;
	s13 =	sadd.s32 $0x40, s13  }
.Ltmp0:
0xe: {  	(pc) =	sbr.rel @p0 .LBB2_2-.Ltmp0, $2  }
0xf: {  	_ =	sdelay $0x2  }
0x10: {  	s14 =	sshra.s32 s14, $0x2  }
0x11: {  	[tilespmem:s14+$0x4000] =	vst v0;
	s13 =	simm.s32 $0x0  }
0x12: {  	[tilespmem:s13], [sflag:$0x1] =	stream.linear.gather [hbm4b:s3+s13], $0x4000, $0x38;
	[tilespmem:$0xC800] =	vst v63  }
0x13: {  	_ =	swait.ge [sflag:s9], $0x4000  }
0x14: {  	[sflag:s9] =	ssyncset.done $0x0  }
0x15: {  	[sflag:s9] =	ssyncadd.s32 $0xFFFFC000  }
.LBB2_4:
0x16: {  	s14 =	sshra.s32 s13, $0x2  }
0x17: {  	v2 =	vld [tilespmem:s14+$0x0];
	_ =	sdelay $0x4  }
0x18: {  	v2 =	vshrl.u32 v2, $0xF;
	_ =	sdelay $0x4  }
0x19: {  	[tilespmem:v2+s10+$0x0] =	vst.idx.add.s32.msk $0xffff, v1  }
0x1a: {  	v2 =	vld [tilespmem:s14+$0x10];
	_ =	sdelay $0x4  }
0x1b: {  	v2 =	vshrl.u32 v2, $0xF;
	_ =	sdelay $0x4  }
0x1c: {  	[tilespmem:v2+s10+$0x0] =	vst.idx.add.s32.msk $0xffff, v1  }
0x1d: {  	v2 =	vld [tilespmem:s14+$0x20];
	_ =	sdelay $0x4  }
0x1e: {  	v2 =	vshrl.u32 v2, $0xF;
	_ =	sdelay $0x4  }
0x1f: {  	[tilespmem:v2+s10+$0x0] =	vst.idx.add.s32.msk $0xffff, v1  }
0x20: {  	v2 =	vld [tilespmem:s14+$0x30];
	_ =	sdelay $0x4  }
0x21: {  	p0 =	sne.s32 s13, $0xFF00;
	v2 =	vshrl.u32 v2, $0xF  }
.Ltmp1:
0x22: {  	_ = 	snop;
	(pc) =	sbr.rel @p0 .LBB2_4-.Ltmp1, $2  }
0x23: {  	_ =	sdelay $0x2  }
0x24: {  	s13 =	sadd.s32 $0x100, s13;
	[tilespmem:v2+s10+$0x0] =	vst.idx.add.s32.msk $0xffff, v1  }
0x25: {  	s13 =	simm.s32 $0x0  }
0x26: {  	[tilespmem:s13], [sflag:$0x1] =	stream.linear.gather [hbm4b:s4+s13], $0x4000, $0x38;
	[tilespmem:$0xC800] =	vst v63  }
0x27: {  	_ =	swait.ge [sflag:s9], $0x4000  }
0x28: {  	[sflag:s9] =	ssyncset.done $0x0  }
0x29: {  	[sflag:s9] =	ssyncadd.s32 $0xFFFFC000  }
.LBB2_6:
0x2a: {  	s14 =	sshra.s32 s13, $0x2  }
0x2b: {  	v2 =	vld [tilespmem:s14+$0x0];
	_ =	sdelay $0x4  }
0x2c: {  	v2 =	vshrl.u32 v2, $0xF;
	_ =	sdelay $0x4  }
0x2d: {  	[tilespmem:v2+s10+$0x0] =	vst.idx.add.s32.msk $0xffff, v1  }
0x2e: {  	v2 =	vld [tilespmem:s14+$0x10];
	_ =	sdelay $0x4  }
0x2f: {  	v2 =	vshrl.u32 v2, $0xF;
	_ =	sdelay $0x4  }
0x30: {  	[tilespmem:v2+s10+$0x0] =	vst.idx.add.s32.msk $0xffff, v1  }
0x31: {  	v2 =	vld [tilespmem:s14+$0x20];
	_ =	sdelay $0x4  }
0x32: {  	v2 =	vshrl.u32 v2, $0xF;
	_ =	sdelay $0x4  }
0x33: {  	[tilespmem:v2+s10+$0x0] =	vst.idx.add.s32.msk $0xffff, v1  }
0x34: {  	v2 =	vld [tilespmem:s14+$0x30];
	_ =	sdelay $0x4  }
0x35: {  	p0 =	sne.s32 s13, $0xFF00;
	v2 =	vshrl.u32 v2, $0xF  }
.Ltmp2:
0x36: {  	_ = 	snop;
	(pc) =	sbr.rel @p0 .LBB2_6-.Ltmp2, $2  }
0x37: {  	_ =	sdelay $0x2  }
0x38: {  	s13 =	sadd.s32 $0x100, s13;
	[tilespmem:v2+s10+$0x0] =	vst.idx.add.s32.msk $0xffff, v1  }
0x39: {  	s13 =	simm.s32 $0x0  }
0x3a: {  	[tilespmem:s13], [sflag:$0x1] =	stream.linear.gather [hbm4b:s5+s13], $0x4000, $0x38;
	[tilespmem:$0xC800] =	vst v63  }
0x3b: {  	_ =	swait.ge [sflag:s9], $0x4000  }
0x3c: {  	[sflag:s9] =	ssyncset.done $0x0  }
0x3d: {  	[sflag:s9] =	ssyncadd.s32 $0xFFFFC000  }
.LBB2_8:
0x3e: {  	s14 =	sshra.s32 s13, $0x2  }
0x3f: {  	v2 =	vld [tilespmem:s14+$0x0];
	_ =	sdelay $0x4  }
0x40: {  	v2 =	vshrl.u32 v2, $0xF;
	_ =	sdelay $0x4  }
0x41: {  	[tilespmem:v2+s10+$0x0] =	vst.idx.add.s32.msk $0xffff, v1  }
0x42: {  	v2 =	vld [tilespmem:s14+$0x10];
	_ =	sdelay $0x4  }
0x43: {  	v2 =	vshrl.u32 v2, $0xF;
	_ =	sdelay $0x4  }
0x44: {  	[tilespmem:v2+s10+$0x0] =	vst.idx.add.s32.msk $0xffff, v1  }
0x45: {  	v2 =	vld [tilespmem:s14+$0x20];
	_ =	sdelay $0x4  }
0x46: {  	v2 =	vshrl.u32 v2, $0xF;
	_ =	sdelay $0x4  }
0x47: {  	[tilespmem:v2+s10+$0x0] =	vst.idx.add.s32.msk $0xffff, v1  }
0x48: {  	v2 =	vld [tilespmem:s14+$0x30];
	_ =	sdelay $0x4  }
0x49: {  	p0 =	sne.s32 s13, $0xFF00;
	v2 =	vshrl.u32 v2, $0xF  }
.Ltmp3:
0x4a: {  	_ = 	snop;
	(pc) =	sbr.rel @p0 .LBB2_8-.Ltmp3, $2  }
0x4b: {  	_ =	sdelay $0x2  }
0x4c: {  	s13 =	sadd.s32 $0x100, s13;
	[tilespmem:v2+s10+$0x0] =	vst.idx.add.s32.msk $0xffff, v1  }
0x4d: {  	s13 =	simm.s32 $0x0  }
0x4e: {  	[tilespmem:s13], [sflag:$0x1] =	stream.linear.gather [hbm4b:s6+s13], $0x4000, $0x38;
	[tilespmem:$0xC800] =	vst v63  }
0x4f: {  	_ =	swait.ge [sflag:s9], $0x4000  }
0x50: {  	[sflag:s9] =	ssyncset.done $0x0  }
0x51: {  	[sflag:s9] =	ssyncadd.s32 $0xFFFFC000  }
.LBB2_10:
0x52: {  	s14 =	sshra.s32 s13, $0x2  }
0x53: {  	v2 =	vld [tilespmem:s14+$0x0];
	_ =	sdelay $0x4  }
0x54: {  	v2 =	vshrl.u32 v2, $0xF;
	_ =	sdelay $0x4  }
0x55: {  	[tilespmem:v2+s10+$0x0] =	vst.idx.add.s32.msk $0xffff, v1  }
0x56: {  	v2 =	vld [tilespmem:s14+$0x10];
	_ =	sdelay $0x4  }
0x57: {  	v2 =	vshrl.u32 v2, $0xF;
	_ =	sdelay $0x4  }
0x58: {  	[tilespmem:v2+s10+$0x0] =	vst.idx.add.s32.msk $0xffff, v1  }
0x59: {  	v2 =	vld [tilespmem:s14+$0x20];
	_ =	sdelay $0x4  }
0x5a: {  	v2 =	vshrl.u32 v2, $0xF;
	_ =	sdelay $0x4  }
0x5b: {  	[tilespmem:v2+s10+$0x0] =	vst.idx.add.s32.msk $0xffff, v1  }
0x5c: {  	v2 =	vld [tilespmem:s14+$0x30];
	_ =	sdelay $0x4  }
0x5d: {  	p0 =	sne.s32 s13, $0xFF00;
	v2 =	vshrl.u32 v2, $0xF  }
.Ltmp4:
0x5e: {  	_ = 	snop;
	(pc) =	sbr.rel @p0 .LBB2_10-.Ltmp4, $2  }
0x5f: {  	_ =	sdelay $0x2  }
0x60: {  	s13 =	sadd.s32 $0x100, s13;
	[tilespmem:v2+s10+$0x0] =	vst.idx.add.s32.msk $0xffff, v1  }
0x61: {  	s2 =	sadd.s32 $0x1, s2  }
0x62: {  	p0 =	sne.s32 s2, s8  }
.Ltmp5:
0x63: {  	_ = 	snop;
	(pc) =	sbr.rel @p0 .LBB2_1-.Ltmp5, $4  }
0x64: {  	[hbm4b:s7+s11] =	stream.strided.scatter [tilespmem:s10], [sflag:$0x1], $0x8800, s12, s11, $0x38;
	[tilespmem:$0xC800] =	vst v63  }
0x65: {  	_ =	swait.ge [sflag:s9], $0x8800  }
0x66: {  	[sflag:s9] =	ssyncset.done $0x0  }
0x67: {  	[sflag:s9] =	ssyncadd.s32 $0xFFFF7800  }
0x68: {  	_ =	sfence.sel $0x180000  }
0x69: {  	[bflag:$0x0] =	sbarrier.arrive $0xFFFF  }
0x6a: {  	p0 =	sne.s32 s1, $0x0;
	_ =	strace $0x90000047  }
0x6b: {  	s0 =	sadd.s32 @!p0 $0x100000, s0;
	[bflag:$0x2] =	sbarrier.arrive $0xFFFF  }
0x6c: {  	[sflag:s0] =	ssyncadd.tile.s32 @!p0 $0x1;
	_ =	shalt  }
.Lfunc_end2:
_tile_overlayer_lowered:
.L_overlay_start_2:
0x6d: {  	(tag) =	ssettag $0x2  }
0x6e: {  	s0 =	rddreg [dreg:$0x0];
	s2 =	stileid.u32  }
0x6f: {  	s1 =	rddreg [dreg:$0x1];
	p0 =	sne.s32 s2, $0x0  }
0x70: {  	s3 =	rddreg [dreg:$0x2];
	[bflag:$0x3] =	sbarrier.arrive $0xFFFF;
	s2 =	simm.s32 @!p0 $0x1C01  }
0x71: {  	[timem:s3], [sflag:s2] =	dma.local @!p0 [hbm:s0], s1  }
0x72: {  	s0 =	simm.s32 @!p0 $0x1  }
0x73: {  	_ =	swait.ge @!p0 [sflag:s0], s1  }
0x74: {  	s1 =	ssub.s32 @!p0 $0x0, s1;
	[sflag:s0] =	ssyncset.done @!p0 $0x0  }
0x75: {  	[sflag:s0] =	ssyncadd.s32 @!p0 s1  }
0x76: {  	[bflag:$0x3] =	sbarrier.arrive $0xFFFF  }
0x77: {  	_ =	shalt  }

</sc_bundles>
